<compile_context>
chip_gen: v7x
topology: tpu7x:2x2x1
jax: 0.10.2.dev20260603
libtpu: 0.0.44.dev20260713+nightly
codegen_flags: <defaults>
</compile_context>

<pallas_src>
import functools

import jax
import jax.numpy as jnp
from jax import lax
from jax.experimental import pallas as pl
from jax.experimental.pallas import tpu as pltpu
from jax.experimental.pallas import tpu_sc as plsc

N = 10000
HID = 128
NG = 64

BLK = 1000
NSTEP = N // BLK


def _phi(z):
    return jnp.concatenate(
        [jnp.cos(z), jnp.cos(2.0 * z), jnp.sin(z), jnp.sin(2.0 * z)], axis=1)


def _node_body(x_ref, w1_ref, w2_ref, h_ref, msg_ref):
    hb = jnp.dot(_phi(x_ref[:]), w1_ref[:], preferred_element_type=jnp.float32)
    h_ref[:] = hb
    msg_ref[:] = jnp.dot(_phi(hb), w2_ref[:], preferred_element_type=jnp.float32)


def _node_transform(x, w1r, w2r):
    return pl.pallas_call(
        _node_body,
        grid=(NSTEP,),
        in_specs=[
            pl.BlockSpec((BLK, HID), lambda i: (i, 0)),
            pl.BlockSpec((4 * HID, HID), lambda i: (0, 0)),
            pl.BlockSpec((4 * HID, HID), lambda i: (0, 0)),
        ],
        out_specs=[
            pl.BlockSpec((BLK, HID), lambda i: (i, 0)),
            pl.BlockSpec((BLK, HID), lambda i: (i, 0)),
        ],
        out_shape=[
            jax.ShapeDtypeStruct((N, HID), jnp.float32),
            jax.ShapeDtypeStruct((N, HID), jnp.float32),
        ],
    )(x, w1r, w2r)


NC, NS = 2, 16
NW = NC * NS
CHUNK = 128
NBUF = 2
SEGC = 48
NPAD = 10112
ROWS_PT = NPAD // NS
F0 = 0.95


def _edge_pass(msg, src0, dst0, src1, dst1, zeros, n0, n1):
    mesh = plsc.VectorSubcoreMesh(core_axis_name="c", subcore_axis_name="s")

    @functools.partial(
        pl.kernel,
        out_type=jax.ShapeDtypeStruct((NC, NPAD, HID), jnp.float32),
        mesh=mesh,
        scratch_types=[
            pltpu.VMEM((SEGC, CHUNK), jnp.int32),
            pltpu.VMEM((SEGC, CHUNK), jnp.int32),
            pltpu.VMEM((NBUF, CHUNK, HID), jnp.float32),
            pltpu.VMEM_SHARED((NPAD, HID), jnp.float32),
        ] + [pltpu.SemaphoreType.DMA] * (2 * NBUF),
    )
    def edge_kernel(msg_hbm, src0_hbm, dst0_hbm, src1_hbm, dst1_hbm,
                    zeros_hbm, out_hbm, src_i, dst_i, rows, acc, *sems):
        gsem, ssem = sems[:NBUF], sems[NBUF:]
        ci = lax.axis_index("c")
        si = lax.axis_index("s")
        with jax.named_scope("acc_zeroinit"):
            pltpu.sync_copy(zeros_hbm.at[pl.ds(si * ROWS_PT, ROWS_PT)],
                            acc.at[pl.ds(si * ROWS_PT, ROWS_PT)])
            plsc.subcore_barrier()

        def wait_gather(c, b):
            pltpu.make_async_copy(
                msg_hbm.at[src_i.at[c]], rows.at[b], gsem[b]).wait()

        def fire_gather(c, b):
            pltpu.async_copy(msg_hbm.at[src_i.at[c]], rows.at[b], gsem[b])

        def fire_scatter(c, b):
            pltpu.async_copy(rows.at[b], acc.at[dst_i.at[c]], ssem[b],
                             add=True)

        def wait_scatter(c, b):
            pltpu.make_async_copy(
                rows.at[b], acc.at[dst_i.at[c]], ssem[b]).wait()

        def process(src_hbm, dst_hbm, nchunk):
            done = 0
            while done < nchunk:
                sc = min(SEGC, nchunk - done)
                pltpu.sync_copy(
                    src_hbm.at[si, pl.ds(done, sc)],
                    src_i.at[pl.ds(0, sc)])
                pltpu.sync_copy(
                    dst_hbm.at[si, pl.ds(done, sc)],
                    dst_i.at[pl.ds(0, sc)])
                for b in range(NBUF):
                    fire_gather(b, b)

                def outer(g, carry):
                    for b in range(NBUF):
                        c = g * NBUF + b
                        wait_gather(c, b)
                        fire_scatter(c, b)
                    for b in range(NBUF):
                        c = g * NBUF + b
                        wait_scatter(c, b)

                        @pl.when(c + NBUF < sc)
                        def _():
                            fire_gather(c + NBUF, b)
                    return carry

                lax.fori_loop(0, sc // NBUF, outer, 0)
                done += sc

        with jax.named_scope("edge_loop"):
            if n0:
                @pl.when(ci == 0)
                def _():
                    process(src0_hbm, dst0_hbm, n0)

            if n1:
                @pl.when(ci == 1)
                def _():
                    process(src1_hbm, dst1_hbm, n1)

            plsc.subcore_barrier()

        with jax.named_scope("acc_copyout"):
            pltpu.sync_copy(acc.at[pl.ds(si * ROWS_PT, ROWS_PT)],
                            out_hbm.at[ci, pl.ds(si * ROWS_PT, ROWS_PT)])

    return edge_kernel(msg, src0, dst0, src1, dst1, zeros)


def _pool_body(m0_ref, m1_ref, h_ref, b_ref, rw_ref, out_ref, sums, counts):
    i = pl.program_id(0)

    @pl.when(i == 0)
    def _():
        sums[:] = jnp.zeros_like(sums)
        counts[:] = jnp.zeros_like(counts)

    h2 = m0_ref[:] + m1_ref[:] + h_ref[:]
    h2 = jnp.where(h2 >= 0, h2, 0.01 * h2)
    brow = b_ref[0, 0, :]
    gid = lax.broadcasted_iota(jnp.int32, (NG, BLK), 0).astype(jnp.float32)
    oh = (gid == brow[None, :]).astype(jnp.float32)
    sums[:] += jnp.dot(oh, h2, preferred_element_type=jnp.float32)
    counts[:] += jnp.broadcast_to(
        jnp.sum(oh, axis=1, keepdims=True), (NG, HID))

    @pl.when(i == NSTEP - 1)
    def _():
        y = sums[:] / jnp.maximum(counts[:], 1.0)
        wc = rw_ref[0:1, :]
        ws = rw_ref[1:2, :]
        bb = rw_ref[2, 0]
        t = jnp.cos(y) * wc + jnp.sin(y) * ws
        tsum = jnp.sum(t, axis=1, keepdims=True) + bb
        res = 1.0 / (1.0 + jnp.exp(-tsum))
        out_ref[:] = jnp.broadcast_to(res, (NG, HID))


def _pool_readout(m0, m1, h, batchf, rw):
    return pl.pallas_call(
        _pool_body,
        grid=(NSTEP,),
        in_specs=[
            pl.BlockSpec((BLK, HID), lambda i: (i, 0)),
            pl.BlockSpec((BLK, HID), lambda i: (i, 0)),
            pl.BlockSpec((BLK, HID), lambda i: (i, 0)),
            pl.BlockSpec((1, 1, BLK), lambda i: (i, 0, 0)),
            pl.BlockSpec((8, HID), lambda i: (0, 0)),
        ],
        out_specs=pl.BlockSpec((NG, HID), lambda i: (0, 0)),
        out_shape=jax.ShapeDtypeStruct((NG, HID), jnp.float32),
        scratch_shapes=[
            pltpu.VMEM((NG, HID), jnp.float32),
            pltpu.VMEM((NG, HID), jnp.float32),
        ],
    )(m0, m1, h, batchf, rw)


def kernel(x, edge_index, batch, w_kan1, conv_coeffs, w_readout, b_readout):
    x = x.astype(jnp.float32)
    w1r = jnp.transpose(w_kan1, (0, 3, 2, 1)).reshape(4 * HID, HID)
    w2r = jnp.transpose(conv_coeffs, (0, 3, 2, 1)).reshape(4 * HID, HID)

    h, msg = _node_transform(x, w1r, w2r)

    e = edge_index.shape[1]
    quant = 8
    total = -(-e // (NS * CHUNK * quant)) * quant
    n0 = int(round(F0 * total / quant)) * quant
    n1 = total - n0
    pad = NS * total * CHUNK - e
    src_p = jnp.concatenate(
        [edge_index[0].astype(jnp.int32), jnp.zeros((pad,), jnp.int32)])
    dst_p = jnp.concatenate(
        [edge_index[1].astype(jnp.int32),
         N + jnp.arange(pad, dtype=jnp.int32) % (NPAD - N)])
    cut = NS * n0 * CHUNK
    src0 = src_p[:cut].reshape(NS, max(n0, 1), CHUNK)
    dst0 = dst_p[:cut].reshape(NS, max(n0, 1), CHUNK)
    if n1:
        src1 = src_p[cut:].reshape(NS, n1, CHUNK)
        dst1 = dst_p[cut:].reshape(NS, n1, CHUNK)
    else:
        src1, dst1 = src0, dst0
    zeros = jnp.zeros((NPAD, HID), jnp.float32)

    parts = _edge_pass(msg, src0, dst0, src1, dst1, zeros, n0, n1)
    m0 = parts[0, :N, :]
    m1 = parts[1, :N, :]

    batchf = batch.astype(jnp.float32).reshape(NSTEP, 1, BLK)
    rw = jnp.zeros((8, HID), jnp.float32)
    rw = rw.at[0, :].set(w_readout[0, 0, :, 0])
    rw = rw.at[1, :].set(w_readout[1, 0, :, 0])
    rw = rw.at[2, :].set(b_readout[0, 0])

    pooled = _pool_readout(m0, m1, h, batchf, rw)
    return pooled[:, :1]

# --- scband reference (transcript-rebuilt; emitter-appended) ---
"""Pipeline reference for scband-ka-gnn-two-60430189854855 (READ-ONLY COPY).

The authoritative reference and input builder live on the scoring server;
editing this copy changes nothing except your own understanding.
"""

import jax, jax.numpy as jnp
import numpy as np

N_NODES = 10000
N_EDGES = 320000
IN_FEAT = 128
HID = 128
GRID = 2
OUT = 1
N_GRAPHS = 64


def kan_linear(x, coeffs, bias):
    # x: (B, I); coeffs: (2, J, I, G); bias: (1, J) or None
    g = coeffs.shape[-1]
    k = jnp.arange(1, g + 1, dtype=x.dtype).reshape(1, 1, g)
    c = jnp.cos(k * x[:, :, None])  # (B, I, G)
    s = jnp.sin(k * x[:, :, None])  # (B, I, G)
    stacked = jnp.stack([c, s], axis=0)  # (2, B, I, G)
    y = jnp.einsum('dbik,djik->bj', stacked, coeffs)
    if bias is not None:
        y = y + bias
    return y


def setup_inputs(seed: int = 0) -> dict:
    key = jax.random.key(seed)
    k1, k2, k3, k4, k5, k6 = jax.random.split(key, 6)
    x = jax.random.normal(k1, (N_NODES, IN_FEAT), dtype=jnp.float32)
    edge_index = jax.random.randint(k2, (2, N_EDGES), 0, N_NODES, dtype=jnp.int64)
    batch = jnp.sort(jax.random.randint(k3, (N_NODES,), 0, N_GRAPHS, dtype=jnp.int64))
    w_kan1 = jax.random.normal(k4, (2, HID, IN_FEAT, GRID), dtype=jnp.float32) / (np.sqrt(IN_FEAT) * np.sqrt(GRID))
    conv_coeffs = jax.random.normal(k5, (2, HID, HID, GRID), dtype=jnp.float32) / (np.sqrt(HID) * np.sqrt(GRID))
    w_readout = jax.random.normal(k6, (2, OUT, HID, 1), dtype=jnp.float32) / (np.sqrt(HID) * 1.0)
    b_readout = jnp.zeros((1, OUT), dtype=jnp.float32)
    return {"x": x, "edge_index": edge_index, "batch": batch,
            "w_kan1": w_kan1, "conv_coeffs": conv_coeffs,
            "w_readout": w_readout, "b_readout": b_readout}


def reference(x, edge_index, batch, w_kan1, conv_coeffs, w_readout, b_readout):
    # kan_line: KAN_linear(in_feat -> hidden_feat), no bias (use_bias=False)
    h = kan_linear(x, w_kan1, None)  # (N, HID)
    # single NaiveFourierKANConv layer (num_layers=2 -> 1 conv layer)
    src = edge_index[0]
    dst = edge_index[1]
    h_src = jnp.take(h, src, axis=0)  # gather source node features, (E, HID)
    m_e = kan_linear(h_src, conv_coeffs, None)  # per-edge Fourier-KAN message, (E, HID)
    m = jax.ops.segment_sum(m_e, dst, num_segments=N_NODES)  # sum aggregation at dst
    h = jax.nn.leaky_relu(m + h, negative_slope=0.01)
    # global mean pool over batch segments
    sums = jax.ops.segment_sum(h, batch, num_segments=N_GRAPHS)
    counts = jax.ops.segment_sum(jnp.ones((N_NODES, 1), dtype=h.dtype), batch, num_segments=N_GRAPHS)
    y = sums / jnp.maximum(counts, 1.0)
    # Readout: KAN_linear(hidden -> out, grid=1, addbias=True) + sigmoid
    out = jax.nn.sigmoid(kan_linear(y, w_readout, b_readout))
    return out

if __name__ == "__main__":
    import jax
    _d = setup_inputs()
    print(jax.jit(kernel)(*tuple(_d.values())))

</pallas_src>

<mosaic_0001>
#map = affine_map<(d0, d1) -> (0, 0)>
#map1 = affine_map<(d0, d1) -> (0, 0, 0)>
module attributes {stable_mosaic.version = 14 : i64} {
  func.func @edge_kernel(%arg0: i32, %arg1: i32, %arg2: memref<10000x128xf32, #tpu.memory_space<hbm>>, %arg3: memref<16x152x128xi32, #tpu.memory_space<hbm>>, %arg4: memref<16x152x128xi32, #tpu.memory_space<hbm>>, %arg5: memref<16x8x128xi32, #tpu.memory_space<hbm>>, %arg6: memref<16x8x128xi32, #tpu.memory_space<hbm>>, %arg7: memref<10112x128xf32, #tpu.memory_space<hbm>>, %arg8: memref<2x10112x128xf32, #tpu.memory_space<hbm>>, %arg9: memref<48x128xi32, #tpu.memory_space<vmem>>, %arg10: memref<48x128xi32, #tpu.memory_space<vmem>>, %arg11: memref<2x128x128xf32, #tpu.memory_space<vmem>>, %arg12: memref<10112x128xf32, #tpu.memory_space<vmem_shared>>, %arg13: memref<!tpu.dma_semaphore, #tpu.memory_space<semaphore_mem>>, %arg14: memref<!tpu.dma_semaphore, #tpu.memory_space<semaphore_mem>>, %arg15: memref<!tpu.dma_semaphore, #tpu.memory_space<semaphore_mem>>, %arg16: memref<!tpu.dma_semaphore, #tpu.memory_space<semaphore_mem>>) attributes {dimension_semantics = [#tpu.dimension_semantics<core_parallel>, #tpu.dimension_semantics<subcore_parallel>], iteration_bounds = array<i64: 2, 16>, scalar_prefetch = 0 : i64, scratch_operands = 8 : i64, tpu.core_type = #tpu.core_type<sc_vector_subcore>, window_params = [{transform_indices = #map}, {transform_indices = #map1}, {transform_indices = #map1}, {transform_indices = #map1}, {transform_indices = #map1}, {transform_indices = #map}, {transform_indices = #map1}]} {
    "tpu.trace_start"() <{level = 10 : i32, message = "acc_zeroinit"}> : () -> ()
    %mul3A = arith.constant 632 : i32
    %mul3A_0 = arith.muli %arg1, %mul3A : i32
    %mul3A_1 = arith.constant 632 : i32
    %mul3A_2 = arith.muli %arg1, %mul3A_1 : i32
    "tpu.region"() ({
      %run_scoped3A = tpu.sem_alloc : memref<!tpu.dma_semaphore, #tpu.memory_space<semaphore_mem>>
      %dma_start3A = arith.constant 0 : i32
      %dma_start3A_15 = tpu.memref_slice %arg12[%mul3A_2, %dma_start3A] : memref<10112x128xf32, #tpu.memory_space<vmem_shared>> -> memref<632x128xf32, #tpu.memory_space<vmem_shared>>
      %dma_start3A_16 = arith.constant 0 : i32
      %dma_start3A_17 = tpu.memref_slice %arg7[%mul3A_0, %dma_start3A_16] : memref<10112x128xf32, #tpu.memory_space<hbm>> -> memref<632x128xf32, #tpu.memory_space<hbm>>
      tpu.enqueue_dma source(%dma_start3A_17 : memref<632x128xf32, #tpu.memory_space<hbm>>) target(%dma_start3A_15 : memref<632x128xf32, #tpu.memory_space<vmem_shared>>) target_semaphore(%run_scoped3A : memref<!tpu.dma_semaphore, #tpu.memory_space<semaphore_mem>>)
      %dma_wait3A = arith.constant 0 : i32
      %dma_wait3A_18 = tpu.memref_slice %arg12[%mul3A_2, %dma_wait3A] : memref<10112x128xf32, #tpu.memory_space<vmem_shared>> -> memref<632x128xf32, #tpu.memory_space<vmem_shared>>
      %dma_wait3A_19 = arith.constant 0 : i32
      %dma_wait3A_20 = tpu.memref_slice %arg7[%mul3A_0, %dma_wait3A_19] : memref<10112x128xf32, #tpu.memory_space<hbm>> -> memref<632x128xf32, #tpu.memory_space<hbm>>
      tpu.wait_dma2 semaphore(%run_scoped3A : memref<!tpu.dma_semaphore, #tpu.memory_space<semaphore_mem>>) src(%dma_wait3A_20 : memref<632x128xf32, #tpu.memory_space<hbm>>) dst(%dma_wait3A_18 : memref<632x128xf32, #tpu.memory_space<vmem_shared>>)
      tpu.yield
    }) : () -> ()
    %barrier3A = arith.constant 0 : index
    tpu.barrier barrier_id(%barrier3A)
    %eq3A = arith.constant 0 : i32
    "tpu.trace_stop"() : () -> ()
    "tpu.trace_start"() <{level = 10 : i32, message = "edge_loop"}> : () -> ()
    %eq3A_3 = arith.cmpi eq, %arg0, %eq3A : i32
    %convert_element_type3A = arith.extui %eq3A_3 : i1 to i32
    %cond3A = arith.constant 0 : i32
    %cond3A_4 = arith.cmpi ne, %convert_element_type3A, %cond3A : i32
    scf.if %cond3A_4 {
      "tpu.region"() ({
        %run_scoped3A = tpu.sem_alloc : memref<!tpu.dma_semaphore, #tpu.memory_space<semaphore_mem>>
        %dma_start3A_133 = arith.constant 0 : i32
        %dma_start3A_134 = arith.constant 0 : i32
        %dma_start3A_135 = tpu.memref_slice %arg9[%dma_start3A_133, %dma_start3A_134] : memref<48x128xi32, #tpu.memory_space<vmem>> -> memref<48x128xi32, #tpu.memory_space<vmem>>
        %dma_start3A_136 = arith.constant 0 : i32
        %dma_start3A_137 = arith.constant 0 : i32
        %dma_start3A_138 = tpu.memref_slice %arg3[%arg1, %dma_start3A_136, %dma_start3A_137] : memref<16x152x128xi32, #tpu.memory_space<hbm>> -> memref<1x48x128xi32, #tpu.memory_space<hbm>>
        %dma_start3A_139 = tpu.memref_squeeze %dma_start3A_138 : memref<1x48x128xi32, #tpu.memory_space<hbm>> -> memref<48x128xi32, #tpu.memory_space<hbm>>
        %dma_start3A_140 = arith.constant 0 : i32
        %dma_start3A_141 = arith.constant 0 : i32
        %dma_start3A_142 = tpu.memref_slice %arg9[%dma_start3A_140, %dma_start3A_141] : memref<48x128xi32, #tpu.memory_space<vmem>> -> memref<48x128xi32, #tpu.memory_space<vmem>>
        %dma_start3A_143 = arith.constant 0 : i32
        %dma_start3A_144 = arith.constant 0 : i32
        %dma_start3A_145 = tpu.memref_slice %arg3[%arg1, %dma_start3A_143, %dma_start3A_144] : memref<16x152x128xi32, #tpu.memory_space<hbm>> -> memref<1x48x128xi32, #tpu.memory_space<hbm>>
        %dma_start3A_146 = tpu.memref_squeeze %dma_start3A_145 : memref<1x48x128xi32, #tpu.memory_space<hbm>> -> memref<48x128xi32, #tpu.memory_space<hbm>>
        tpu.enqueue_dma source(%dma_start3A_146 : memref<48x128xi32, #tpu.memory_space<hbm>>) target(%dma_start3A_142 : memref<48x128xi32, #tpu.memory_space<vmem>>) target_semaphore(%run_scoped3A : memref<!tpu.dma_semaphore, #tpu.memory_space<semaphore_mem>>)
        %dma_wait3A = arith.constant 0 : i32
        %dma_wait3A_147 = arith.constant 0 : i32
        %dma_wait3A_148 = tpu.memref_slice %arg9[%dma_wait3A, %dma_wait3A_147] : memref<48x128xi32, #tpu.memory_space<vmem>> -> memref<48x128xi32, #tpu.memory_space<vmem>>
        %dma_wait3A_149 = arith.constant 0 : i32
        %dma_wait3A_150 = arith.constant 0 : i32
        %dma_wait3A_151 = tpu.memref_slice %arg3[%arg1, %dma_wait3A_149, %dma_wait3A_150] : memref<16x152x128xi32, #tpu.memory_space<hbm>> -> memref<1x48x128xi32, #tpu.memory_space<hbm>>
        %dma_wait3A_152 = tpu.memref_squeeze %dma_wait3A_151 : memref<1x48x128xi32, #tpu.memory_space<hbm>> -> memref<48x128xi32, #tpu.memory_space<hbm>>
        %dma_wait3A_153 = arith.constant 0 : i32
        %dma_wait3A_154 = arith.constant 0 : i32
        %dma_wait3A_155 = tpu.memref_slice %arg9[%dma_wait3A_153, %dma_wait3A_154] : memref<48x128xi32, #tpu.memory_space<vmem>> -> memref<48x128xi32, #tpu.memory_space<vmem>>
        %dma_wait3A_156 = arith.constant 0 : i32
        %dma_wait3A_157 = arith.constant 0 : i32
        %dma_wait3A_158 = tpu.memref_slice %arg3[%arg1, %dma_wait3A_156, %dma_wait3A_157] : memref<16x152x128xi32, #tpu.memory_space<hbm>> -> memref<1x48x128xi32, #tpu.memory_space<hbm>>
        %dma_wait3A_159 = tpu.memref_squeeze %dma_wait3A_158 : memref<1x48x128xi32, #tpu.memory_space<hbm>> -> memref<48x128xi32, #tpu.memory_space<hbm>>
        tpu.wait_dma2 semaphore(%run_scoped3A : memref<!tpu.dma_semaphore, #tpu.memory_space<semaphore_mem>>) src(%dma_wait3A_159 : memref<48x128xi32, #tpu.memory_space<hbm>>) dst(%dma_wait3A_155 : memref<48x128xi32, #tpu.memory_space<vmem>>)
        tpu.yield
      }) : () -> ()
      "tpu.region"() ({
        %run_scoped3A = tpu.sem_alloc : memref<!tpu.dma_semaphore, #tpu.memory_space<semaphore_mem>>
        %dma_start3A_133 = arith.constant 0 : i32
        %dma_start3A_134 = arith.constant 0 : i32
        %dma_start3A_135 = tpu.memref_slice %arg10[%dma_start3A_133, %dma_start3A_134] : memref<48x128xi32, #tpu.memory_space<vmem>> -> memref<48x128xi32, #tpu.memory_space<vmem>>
        %dma_start3A_136 = arith.constant 0 : i32
        %dma_start3A_137 = arith.constant 0 : i32
        %dma_start3A_138 = tpu.memref_slice %arg4[%arg1, %dma_start3A_136, %dma_start3A_137] : memref<16x152x128xi32, #tpu.memory_space<hbm>> -> memref<1x48x128xi32, #tpu.memory_space<hbm>>
        %dma_start3A_139 = tpu.memref_squeeze %dma_start3A_138 : memref<1x48x128xi32, #tpu.memory_space<hbm>> -> memref<48x128xi32, #tpu.memory_space<hbm>>
        %dma_start3A_140 = arith.constant 0 : i32
        %dma_start3A_141 = arith.constant 0 : i32
        %dma_start3A_142 = tpu.memref_slice %arg10[%dma_start3A_140, %dma_start3A_141] : memref<48x128xi32, #tpu.memory_space<vmem>> -> memref<48x128xi32, #tpu.memory_space<vmem>>
        %dma_start3A_143 = arith.constant 0 : i32
        %dma_start3A_144 = arith.constant 0 : i32
        %dma_start3A_145 = tpu.memref_slice %arg4[%arg1, %dma_start3A_143, %dma_start3A_144] : memref<16x152x128xi32, #tpu.memory_space<hbm>> -> memref<1x48x128xi32, #tpu.memory_space<hbm>>
        %dma_start3A_146 = tpu.memref_squeeze %dma_start3A_145 : memref<1x48x128xi32, #tpu.memory_space<hbm>> -> memref<48x128xi32, #tpu.memory_space<hbm>>
        tpu.enqueue_dma source(%dma_start3A_146 : memref<48x128xi32, #tpu.memory_space<hbm>>) target(%dma_start3A_142 : memref<48x128xi32, #tpu.memory_space<vmem>>) target_semaphore(%run_scoped3A : memref<!tpu.dma_semaphore, #tpu.memory_space<semaphore_mem>>)
        %dma_wait3A = arith.constant 0 : i32
        %dma_wait3A_147 = arith.constant 0 : i32
        %dma_wait3A_148 = tpu.memref_slice %arg10[%dma_wait3A, %dma_wait3A_147] : memref<48x128xi32, #tpu.memory_space<vmem>> -> memref<48x128xi32, #tpu.memory_space<vmem>>
        %dma_wait3A_149 = arith.constant 0 : i32
        %dma_wait3A_150 = arith.constant 0 : i32
        %dma_wait3A_151 = tpu.memref_slice %arg4[%arg1, %dma_wait3A_149, %dma_wait3A_150] : memref<16x152x128xi32, #tpu.memory_space<hbm>> -> memref<1x48x128xi32, #tpu.memory_space<hbm>>
        %dma_wait3A_152 = tpu.memref_squeeze %dma_wait3A_151 : memref<1x48x128xi32, #tpu.memory_space<hbm>> -> memref<48x128xi32, #tpu.memory_space<hbm>>
        %dma_wait3A_153 = arith.constant 0 : i32
        %dma_wait3A_154 = arith.constant 0 : i32
        %dma_wait3A_155 = tpu.memref_slice %arg10[%dma_wait3A_153, %dma_wait3A_154] : memref<48x128xi32, #tpu.memory_space<vmem>> -> memref<48x128xi32, #tpu.memory_space<vmem>>
        %dma_wait3A_156 = arith.constant 0 : i32
        %dma_wait3A_157 = arith.constant 0 : i32
        %dma_wait3A_158 = tpu.memref_slice %arg4[%arg1, %dma_wait3A_156, %dma_wait3A_157] : memref<16x152x128xi32, #tpu.memory_space<hbm>> -> memref<1x48x128xi32, #tpu.memory_space<hbm>>
        %dma_wait3A_159 = tpu.memref_squeeze %dma_wait3A_158 : memref<1x48x128xi32, #tpu.memory_space<hbm>> -> memref<48x128xi32, #tpu.memory_space<hbm>>
        tpu.wait_dma2 semaphore(%run_scoped3A : memref<!tpu.dma_semaphore, #tpu.memory_space<semaphore_mem>>) src(%dma_wait3A_159 : memref<48x128xi32, #tpu.memory_space<hbm>>) dst(%dma_wait3A_155 : memref<48x128xi32, #tpu.memory_space<vmem>>)
        tpu.yield
      }) : () -> ()
      %dma_start3A = arith.constant 0 : i32
      %dma_start3A_15 = arith.constant 0 : i32
      %dma_start3A_16 = arith.constant 0 : i32
      %dma_start3A_17 = arith.constant 0 : i32
      %dma_start3A_18 = tpu.memref_slice %arg11[%dma_start3A_15, %dma_start3A_16, %dma_start3A_17] : memref<2x128x128xf32, #tpu.memory_space<vmem>> -> memref<1x128x128xf32, #tpu.memory_space<vmem>>
      %dma_start3A_19 = tpu.memref_squeeze %dma_start3A_18 : memref<1x128x128xf32, #tpu.memory_space<vmem>> -> memref<128x128xf32, #tpu.memory_space<vmem>>
      %dma_start3A_20 = arith.constant 0 : i32
      %dma_start3A_21 = tpu.memref_slice %arg9[%dma_start3A, %dma_start3A_20] : memref<48x128xi32, #tpu.memory_space<vmem>> -> memref<1x128xi32, #tpu.memory_space<vmem>>
      %dma_start3A_22 = tpu.memref_squeeze %dma_start3A_21 : memref<1x128xi32, #tpu.memory_space<vmem>> -> memref<128xi32, #tpu.memory_space<vmem>>
      %dma_start3A_23 = arith.constant 0 : i32
      %dma_start3A_24 = arith.constant 0 : i32
      %dma_start3A_25 = tpu.memref_slice %arg2[%dma_start3A_23, %dma_start3A_24] : memref<10000x128xf32, #tpu.memory_space<hbm>> -> memref<10000x128xf32, #tpu.memory_space<hbm>>
      tpu.enqueue_indirect_dma source(%dma_start3A_25 : memref<10000x128xf32, #tpu.memory_space<hbm>>) target(%dma_start3A_19 : memref<128x128xf32, #tpu.memory_space<vmem>>) offsets(%dma_start3A_22 : memref<128xi32, #tpu.memory_space<vmem>>) semaphore(%arg13 : memref<!tpu.dma_semaphore, #tpu.memory_space<semaphore_mem>>)
      %dma_start3A_26 = arith.constant 1 : i32
      %dma_start3A_27 = arith.constant 1 : i32
      %dma_start3A_28 = arith.constant 0 : i32
      %dma_start3A_29 = arith.constant 0 : i32
      %dma_start3A_30 = tpu.memref_slice %arg11[%dma_start3A_27, %dma_start3A_28, %dma_start3A_29] : memref<2x128x128xf32, #tpu.memory_space<vmem>> -> memref<1x128x128xf32, #tpu.memory_space<vmem>>
      %dma_start3A_31 = tpu.memref_squeeze %dma_start3A_30 : memref<1x128x128xf32, #tpu.memory_space<vmem>> -> memref<128x128xf32, #tpu.memory_space<vmem>>
      %dma_start3A_32 = arith.constant 0 : i32
      %dma_start3A_33 = tpu.memref_slice %arg9[%dma_start3A_26, %dma_start3A_32] : memref<48x128xi32, #tpu.memory_space<vmem>> -> memref<1x128xi32, #tpu.memory_space<vmem>>
      %dma_start3A_34 = tpu.memref_squeeze %dma_start3A_33 : memref<1x128xi32, #tpu.memory_space<vmem>> -> memref<128xi32, #tpu.memory_space<vmem>>
      %dma_start3A_35 = arith.constant 0 : i32
      %dma_start3A_36 = arith.constant 0 : i32
      %dma_start3A_37 = tpu.memref_slice %arg2[%dma_start3A_35, %dma_start3A_36] : memref<10000x128xf32, #tpu.memory_space<hbm>> -> memref<10000x128xf32, #tpu.memory_space<hbm>>
      tpu.enqueue_indirect_dma source(%dma_start3A_37 : memref<10000x128xf32, #tpu.memory_space<hbm>>) target(%dma_start3A_31 : memref<128x128xf32, #tpu.memory_space<vmem>>) offsets(%dma_start3A_34 : memref<128xi32, #tpu.memory_space<vmem>>) semaphore(%arg14 : memref<!tpu.dma_semaphore, #tpu.memory_space<semaphore_mem>>)
      %scan3A = arith.constant 0 : i32
      %scan3A_38 = arith.constant 0 : i32
      %scan3A_39 = arith.constant 24 : i32
      %scan3A_40 = arith.addi %scan3A_38, %scan3A_39 : i32
      %scan3A_41 = arith.constant 1 : i32
      scf.for %scan3A_133 = %scan3A_38 to %scan3A_40 step %scan3A_41  : i32 {
        %mul3A_134 = arith.constant 2 : i32
        %mul3A_135 = arith.muli %scan3A_133, %mul3A_134 : i32
        %add3A = arith.constant 0 : i32
        %add3A_136 = arith.addi %mul3A_135, %add3A : i32
        %dma_wait3A = arith.constant 0 : i32
        %dma_wait3A_137 = arith.constant 0 : i32
        %dma_wait3A_138 = arith.constant 0 : i32
        %dma_wait3A_139 = tpu.memref_slice %arg11[%dma_wait3A, %dma_wait3A_137, %dma_wait3A_138] : memref<2x128x128xf32, #tpu.memory_space<vmem>> -> memref<1x128x128xf32, #tpu.memory_space<vmem>>
        %dma_wait3A_140 = tpu.memref_squeeze %dma_wait3A_139 : memref<1x128x128xf32, #tpu.memory_space<vmem>> -> memref<128x128xf32, #tpu.memory_space<vmem>>
        %dma_wait3A_141 = arith.constant 0 : i32
        %dma_wait3A_142 = tpu.memref_slice %arg9[%add3A_136, %dma_wait3A_141] : memref<48x128xi32, #tpu.memory_space<vmem>> -> memref<1x128xi32, #tpu.memory_space<vmem>>
        %dma_wait3A_143 = tpu.memref_squeeze %dma_wait3A_142 : memref<1x128xi32, #tpu.memory_space<vmem>> -> memref<128xi32, #tpu.memory_space<vmem>>
        %dma_wait3A_144 = arith.constant 0 : i32
        %dma_wait3A_145 = arith.constant 0 : i32
        %dma_wait3A_146 = tpu.memref_slice %arg2[%dma_wait3A_144, %dma_wait3A_145] : memref<10000x128xf32, #tpu.memory_space<hbm>> -> memref<10000x128xf32, #tpu.memory_space<hbm>>
        tpu.wait_indirect_dma semaphore(%arg13 : memref<!tpu.dma_semaphore, #tpu.memory_space<semaphore_mem>>) src(%dma_wait3A_146 : memref<10000x128xf32, #tpu.memory_space<hbm>>) dst(%dma_wait3A_140 : memref<128x128xf32, #tpu.memory_space<vmem>>)
        %dma_start3A_147 = arith.constant 0 : i32
        %dma_start3A_148 = arith.constant 0 : i32
        %dma_start3A_149 = arith.constant 0 : i32
        %dma_start3A_150 = tpu.memref_slice %arg11[%dma_start3A_147, %dma_start3A_148, %dma_start3A_149] : memref<2x128x128xf32, #tpu.memory_space<vmem>> -> memref<1x128x128xf32, #tpu.memory_space<vmem>>
        %dma_start3A_151 = tpu.memref_squeeze %dma_start3A_150 : memref<1x128x128xf32, #tpu.memory_space<vmem>> -> memref<128x128xf32, #tpu.memory_space<vmem>>
        %dma_start3A_152 = arith.constant 0 : i32
        %dma_start3A_153 = tpu.memref_slice %arg10[%add3A_136, %dma_start3A_152] : memref<48x128xi32, #tpu.memory_space<vmem>> -> memref<1x128xi32, #tpu.memory_space<vmem>>
        %dma_start3A_154 = tpu.memref_squeeze %dma_start3A_153 : memref<1x128xi32, #tpu.memory_space<vmem>> -> memref<128xi32, #tpu.memory_space<vmem>>
        %dma_start3A_155 = arith.constant 0 : i32
        %dma_start3A_156 = arith.constant 0 : i32
        %dma_start3A_157 = tpu.memref_slice %arg12[%dma_start3A_155, %dma_start3A_156] : memref<10112x128xf32, #tpu.memory_space<vmem_shared>> -> memref<10112x128xf32, #tpu.memory_space<vmem_shared>>
        tpu.enqueue_indirect_dma source(%dma_start3A_151 : memref<128x128xf32, #tpu.memory_space<vmem>>) target(%dma_start3A_157 : memref<10112x128xf32, #tpu.memory_space<vmem_shared>>) offsets(%dma_start3A_154 : memref<128xi32, #tpu.memory_space<vmem>>) semaphore(%arg15 : memref<!tpu.dma_semaphore, #tpu.memory_space<semaphore_mem>>) {add = true}
        %mul3A_158 = arith.constant 2 : i32
        %mul3A_159 = arith.muli %scan3A_133, %mul3A_158 : i32
        %add3A_160 = arith.constant 1 : i32
        %add3A_161 = arith.addi %mul3A_159, %add3A_160 : i32
        %dma_wait3A_162 = arith.constant 1 : i32
        %dma_wait3A_163 = arith.constant 0 : i32
        %dma_wait3A_164 = arith.constant 0 : i32
        %dma_wait3A_165 = tpu.memref_slice %arg11[%dma_wait3A_162, %dma_wait3A_163, %dma_wait3A_164] : memref<2x128x128xf32, #tpu.memory_space<vmem>> -> memref<1x128x128xf32, #tpu.memory_space<vmem>>
        %dma_wait3A_166 = tpu.memref_squeeze %dma_wait3A_165 : memref<1x128x128xf32, #tpu.memory_space<vmem>> -> memref<128x128xf32, #tpu.memory_space<vmem>>
        %dma_wait3A_167 = arith.constant 0 : i32
        %dma_wait3A_168 = tpu.memref_slice %arg9[%add3A_161, %dma_wait3A_167] : memref<48x128xi32, #tpu.memory_space<vmem>> -> memref<1x128xi32, #tpu.memory_space<vmem>>
        %dma_wait3A_169 = tpu.memref_squeeze %dma_wait3A_168 : memref<1x128xi32, #tpu.memory_space<vmem>> -> memref<128xi32, #tpu.memory_space<vmem>>
        %dma_wait3A_170 = arith.constant 0 : i32
        %dma_wait3A_171 = arith.constant 0 : i32
        %dma_wait3A_172 = tpu.memref_slice %arg2[%dma_wait3A_170, %dma_wait3A_171] : memref<10000x128xf32, #tpu.memory_space<hbm>> -> memref<10000x128xf32, #tpu.memory_space<hbm>>
        tpu.wait_indirect_dma semaphore(%arg14 : memref<!tpu.dma_semaphore, #tpu.memory_space<semaphore_mem>>) src(%dma_wait3A_172 : memref<10000x128xf32, #tpu.memory_space<hbm>>) dst(%dma_wait3A_166 : memref<128x128xf32, #tpu.memory_space<vmem>>)
        %dma_start3A_173 = arith.constant 1 : i32
        %dma_start3A_174 = arith.constant 0 : i32
        %dma_start3A_175 = arith.constant 0 : i32
        %dma_start3A_176 = tpu.memref_slice %arg11[%dma_start3A_173, %dma_start3A_174, %dma_start3A_175] : memref<2x128x128xf32, #tpu.memory_space<vmem>> -> memref<1x128x128xf32, #tpu.memory_space<vmem>>
        %dma_start3A_177 = tpu.memref_squeeze %dma_start3A_176 : memref<1x128x128xf32, #tpu.memory_space<vmem>> -> memref<128x128xf32, #tpu.memory_space<vmem>>
        %dma_start3A_178 = arith.constant 0 : i32
        %dma_start3A_179 = tpu.memref_slice %arg10[%add3A_161, %dma_start3A_178] : memref<48x128xi32, #tpu.memory_space<vmem>> -> memref<1x128xi32, #tpu.memory_space<vmem>>
        %dma_start3A_180 = tpu.memref_squeeze %dma_start3A_179 : memref<1x128xi32, #tpu.memory_space<vmem>> -> memref<128xi32, #tpu.memory_space<vmem>>
        %dma_start3A_181 = arith.constant 0 : i32
        %dma_start3A_182 = arith.constant 0 : i32
        %dma_start3A_183 = tpu.memref_slice %arg12[%dma_start3A_181, %dma_start3A_182] : memref<10112x128xf32, #tpu.memory_space<vmem_shared>> -> memref<10112x128xf32, #tpu.memory_space<vmem_shared>>
        tpu.enqueue_indirect_dma source(%dma_start3A_177 : memref<128x128xf32, #tpu.memory_space<vmem>>) target(%dma_start3A_183 : memref<10112x128xf32, #tpu.memory_space<vmem_shared>>) offsets(%dma_start3A_180 : memref<128xi32, #tpu.memory_space<vmem>>) semaphore(%arg16 : memref<!tpu.dma_semaphore, #tpu.memory_space<semaphore_mem>>) {add = true}
        %mul3A_184 = arith.constant 2 : i32
        %mul3A_185 = arith.muli %scan3A_133, %mul3A_184 : i32
        %add3A_186 = arith.constant 0 : i32
        %add3A_187 = arith.addi %mul3A_185, %add3A_186 : i32
        %dma_wait3A_188 = arith.constant 0 : i32
        %dma_wait3A_189 = arith.constant 0 : i32
        %dma_wait3A_190 = arith.constant 0 : i32
        %dma_wait3A_191 = tpu.memref_slice %arg11[%dma_wait3A_188, %dma_wait3A_189, %dma_wait3A_190] : memref<2x128x128xf32, #tpu.memory_space<vmem>> -> memref<1x128x128xf32, #tpu.memory_space<vmem>>
        %dma_wait3A_192 = tpu.memref_squeeze %dma_wait3A_191 : memref<1x128x128xf32, #tpu.memory_space<vmem>> -> memref<128x128xf32, #tpu.memory_space<vmem>>
        %dma_wait3A_193 = arith.constant 0 : i32
        %dma_wait3A_194 = tpu.memref_slice %arg10[%add3A_187, %dma_wait3A_193] : memref<48x128xi32, #tpu.memory_space<vmem>> -> memref<1x128xi32, #tpu.memory_space<vmem>>
        %dma_wait3A_195 = tpu.memref_squeeze %dma_wait3A_194 : memref<1x128xi32, #tpu.memory_space<vmem>> -> memref<128xi32, #tpu.memory_space<vmem>>
        %dma_wait3A_196 = arith.constant 0 : i32
        %dma_wait3A_197 = arith.constant 0 : i32
        %dma_wait3A_198 = tpu.memref_slice %arg12[%dma_wait3A_196, %dma_wait3A_197] : memref<10112x128xf32, #tpu.memory_space<vmem_shared>> -> memref<10112x128xf32, #tpu.memory_space<vmem_shared>>
        tpu.wait_indirect_dma semaphore(%arg15 : memref<!tpu.dma_semaphore, #tpu.memory_space<semaphore_mem>>) src(%dma_wait3A_192 : memref<128x128xf32, #tpu.memory_space<vmem>>) dst(%dma_wait3A_198 : memref<10112x128xf32, #tpu.memory_space<vmem_shared>>)
        %add3A_199 = arith.constant 2 : i32
        %add3A_200 = arith.addi %add3A_187, %add3A_199 : i32
        %lt3A = arith.constant 48 : i32
        %lt3A_201 = arith.cmpi slt, %add3A_200, %lt3A : i32
        %convert_element_type3A_202 = arith.extui %lt3A_201 : i1 to i32
        %cond3A_203 = arith.constant 0 : i32
        %cond3A_204 = arith.cmpi ne, %convert_element_type3A_202, %cond3A_203 : i32
        scf.if %cond3A_204 {
          %add3A_227 = arith.constant 2 : i32
          %add3A_228 = arith.addi %add3A_187, %add3A_227 : i32
          %dma_start3A_229 = arith.constant 0 : i32
          %dma_start3A_230 = arith.constant 0 : i32
          %dma_start3A_231 = arith.constant 0 : i32
          %dma_start3A_232 = tpu.memref_slice %arg11[%dma_start3A_229, %dma_start3A_230, %dma_start3A_231] : memref<2x128x128xf32, #tpu.memory_space<vmem>> -> memref<1x128x128xf32, #tpu.memory_space<vmem>>
          %dma_start3A_233 = tpu.memref_squeeze %dma_start3A_232 : memref<1x128x128xf32, #tpu.memory_space<vmem>> -> memref<128x128xf32, #tpu.memory_space<vmem>>
          %dma_start3A_234 = arith.constant 0 : i32
          %dma_start3A_235 = tpu.memref_slice %arg9[%add3A_228, %dma_start3A_234] : memref<48x128xi32, #tpu.memory_space<vmem>> -> memref<1x128xi32, #tpu.memory_space<vmem>>
          %dma_start3A_236 = tpu.memref_squeeze %dma_start3A_235 : memref<1x128xi32, #tpu.memory_space<vmem>> -> memref<128xi32, #tpu.memory_space<vmem>>
          %dma_start3A_237 = arith.constant 0 : i32
          %dma_start3A_238 = arith.constant 0 : i32
          %dma_start3A_239 = tpu.memref_slice %arg2[%dma_start3A_237, %dma_start3A_238] : memref<10000x128xf32, #tpu.memory_space<hbm>> -> memref<10000x128xf32, #tpu.memory_space<hbm>>
          tpu.enqueue_indirect_dma source(%dma_start3A_239 : memref<10000x128xf32, #tpu.memory_space<hbm>>) target(%dma_start3A_233 : memref<128x128xf32, #tpu.memory_space<vmem>>) offsets(%dma_start3A_236 : memref<128xi32, #tpu.memory_space<vmem>>) semaphore(%arg13 : memref<!tpu.dma_semaphore, #tpu.memory_space<semaphore_mem>>)
        } else {
        }
        %mul3A_205 = arith.constant 2 : i32
        %mul3A_206 = arith.muli %scan3A_133, %mul3A_205 : i32
        %add3A_207 = arith.constant 1 : i32
        %add3A_208 = arith.addi %mul3A_206, %add3A_207 : i32
        %dma_wait3A_209 = arith.constant 1 : i32
        %dma_wait3A_210 = arith.constant 0 : i32
        %dma_wait3A_211 = arith.constant 0 : i32
        %dma_wait3A_212 = tpu.memref_slice %arg11[%dma_wait3A_209, %dma_wait3A_210, %dma_wait3A_211] : memref<2x128x128xf32, #tpu.memory_space<vmem>> -> memref<1x128x128xf32, #tpu.memory_space<vmem>>
        %dma_wait3A_213 = tpu.memref_squeeze %dma_wait3A_212 : memref<1x128x128xf32, #tpu.memory_space<vmem>> -> memref<128x128xf32, #tpu.memory_space<vmem>>
        %dma_wait3A_214 = arith.constant 0 : i32
        %dma_wait3A_215 = tpu.memref_slice %arg10[%add3A_208, %dma_wait3A_214] : memref<48x128xi32, #tpu.memory_space<vmem>> -> memref<1x128xi32, #tpu.memory_space<vmem>>
        %dma_wait3A_216 = tpu.memref_squeeze %dma_wait3A_215 : memref<1x128xi32, #tpu.memory_space<vmem>> -> memref<128xi32, #tpu.memory_space<vmem>>
        %dma_wait3A_217 = arith.constant 0 : i32
        %dma_wait3A_218 = arith.constant 0 : i32
        %dma_wait3A_219 = tpu.memref_slice %arg12[%dma_wait3A_217, %dma_wait3A_218] : memref<10112x128xf32, #tpu.memory_space<vmem_shared>> -> memref<10112x128xf32, #tpu.memory_space<vmem_shared>>
        tpu.wait_indirect_dma semaphore(%arg16 : memref<!tpu.dma_semaphore, #tpu.memory_space<semaphore_mem>>) src(%dma_wait3A_213 : memref<128x128xf32, #tpu.memory_space<vmem>>) dst(%dma_wait3A_219 : memref<10112x128xf32, #tpu.memory_space<vmem_shared>>)
        %add3A_220 = arith.constant 2 : i32
        %add3A_221 = arith.addi %add3A_208, %add3A_220 : i32
        %lt3A_222 = arith.constant 48 : i32
        %lt3A_223 = arith.cmpi slt, %add3A_221, %lt3A_222 : i32
        %convert_element_type3A_224 = arith.extui %lt3A_223 : i1 to i32
        %cond3A_225 = arith.constant 0 : i32
        %cond3A_226 = arith.cmpi ne, %convert_element_type3A_224, %cond3A_225 : i32
        scf.if %cond3A_226 {
          %add3A_227 = arith.constant 2 : i32
          %add3A_228 = arith.addi %add3A_208, %add3A_227 : i32
          %dma_start3A_229 = arith.constant 1 : i32
          %dma_start3A_230 = arith.constant 0 : i32
          %dma_start3A_231 = arith.constant 0 : i32
          %dma_start3A_232 = tpu.memref_slice %arg11[%dma_start3A_229, %dma_start3A_230, %dma_start3A_231] : memref<2x128x128xf32, #tpu.memory_space<vmem>> -> memref<1x128x128xf32, #tpu.memory_space<vmem>>
          %dma_start3A_233 = tpu.memref_squeeze %dma_start3A_232 : memref<1x128x128xf32, #tpu.memory_space<vmem>> -> memref<128x128xf32, #tpu.memory_space<vmem>>
          %dma_start3A_234 = arith.constant 0 : i32
          %dma_start3A_235 = tpu.memref_slice %arg9[%add3A_228, %dma_start3A_234] : memref<48x128xi32, #tpu.memory_space<vmem>> -> memref<1x128xi32, #tpu.memory_space<vmem>>
          %dma_start3A_236 = tpu.memref_squeeze %dma_start3A_235 : memref<1x128xi32, #tpu.memory_space<vmem>> -> memref<128xi32, #tpu.memory_space<vmem>>
          %dma_start3A_237 = arith.constant 0 : i32
          %dma_start3A_238 = arith.constant 0 : i32
          %dma_start3A_239 = tpu.memref_slice %arg2[%dma_start3A_237, %dma_start3A_238] : memref<10000x128xf32, #tpu.memory_space<hbm>> -> memref<10000x128xf32, #tpu.memory_space<hbm>>
          tpu.enqueue_indirect_dma source(%dma_start3A_239 : memref<10000x128xf32, #tpu.memory_space<hbm>>) target(%dma_start3A_233 : memref<128x128xf32, #tpu.memory_space<vmem>>) offsets(%dma_start3A_236 : memref<128xi32, #tpu.memory_space<vmem>>) semaphore(%arg14 : memref<!tpu.dma_semaphore, #tpu.memory_space<semaphore_mem>>)
        } else {
        }
      }
      %scan3A_42 = arith.constant 24 : i32
      "tpu.region"() ({
        %run_scoped3A = tpu.sem_alloc : memref<!tpu.dma_semaphore, #tpu.memory_space<semaphore_mem>>
        %dma_start3A_133 = arith.constant 0 : i32
        %dma_start3A_134 = arith.constant 0 : i32
        %dma_start3A_135 = tpu.memref_slice %arg9[%dma_start3A_133, %dma_start3A_134] : memref<48x128xi32, #tpu.memory_space<vmem>> -> memref<48x128xi32, #tpu.memory_space<vmem>>
        %dma_start3A_136 = arith.constant 48 : i32
        %dma_start3A_137 = arith.constant 0 : i32
        %dma_start3A_138 = tpu.memref_slice %arg3[%arg1, %dma_start3A_136, %dma_start3A_137] : memref<16x152x128xi32, #tpu.memory_space<hbm>> -> memref<1x48x128xi32, #tpu.memory_space<hbm>>
        %dma_start3A_139 = tpu.memref_squeeze %dma_start3A_138 : memref<1x48x128xi32, #tpu.memory_space<hbm>> -> memref<48x128xi32, #tpu.memory_space<hbm>>
        %dma_start3A_140 = arith.constant 0 : i32
        %dma_start3A_141 = arith.constant 0 : i32
        %dma_start3A_142 = tpu.memref_slice %arg9[%dma_start3A_140, %dma_start3A_141] : memref<48x128xi32, #tpu.memory_space<vmem>> -> memref<48x128xi32, #tpu.memory_space<vmem>>
        %dma_start3A_143 = arith.constant 48 : i32
        %dma_start3A_144 = arith.constant 0 : i32
        %dma_start3A_145 = tpu.memref_slice %arg3[%arg1, %dma_start3A_143, %dma_start3A_144] : memref<16x152x128xi32, #tpu.memory_space<hbm>> -> memref<1x48x128xi32, #tpu.memory_space<hbm>>
        %dma_start3A_146 = tpu.memref_squeeze %dma_start3A_145 : memref<1x48x128xi32, #tpu.memory_space<hbm>> -> memref<48x128xi32, #tpu.memory_space<hbm>>
        tpu.enqueue_dma source(%dma_start3A_146 : memref<48x128xi32, #tpu.memory_space<hbm>>) target(%dma_start3A_142 : memref<48x128xi32, #tpu.memory_space<vmem>>) target_semaphore(%run_scoped3A : memref<!tpu.dma_semaphore, #tpu.memory_space<semaphore_mem>>)
        %dma_wait3A = arith.constant 0 : i32
        %dma_wait3A_147 = arith.constant 0 : i32
        %dma_wait3A_148 = tpu.memref_slice %arg9[%dma_wait3A, %dma_wait3A_147] : memref<48x128xi32, #tpu.memory_space<vmem>> -> memref<48x128xi32, #tpu.memory_space<vmem>>
        %dma_wait3A_149 = arith.constant 48 : i32
        %dma_wait3A_150 = arith.constant 0 : i32
        %dma_wait3A_151 = tpu.memref_slice %arg3[%arg1, %dma_wait3A_149, %dma_wait3A_150] : memref<16x152x128xi32, #tpu.memory_space<hbm>> -> memref<1x48x128xi32, #tpu.memory_space<hbm>>
        %dma_wait3A_152 = tpu.memref_squeeze %dma_wait3A_151 : memref<1x48x128xi32, #tpu.memory_space<hbm>> -> memref<48x128xi32, #tpu.memory_space<hbm>>
        %dma_wait3A_153 = arith.constant 0 : i32
        %dma_wait3A_154 = arith.constant 0 : i32
        %dma_wait3A_155 = tpu.memref_slice %arg9[%dma_wait3A_153, %dma_wait3A_154] : memref<48x128xi32, #tpu.memory_space<vmem>> -> memref<48x128xi32, #tpu.memory_space<vmem>>
        %dma_wait3A_156 = arith.constant 48 : i32
        %dma_wait3A_157 = arith.constant 0 : i32
        %dma_wait3A_158 = tpu.memref_slice %arg3[%arg1, %dma_wait3A_156, %dma_wait3A_157] : memref<16x152x128xi32, #tpu.memory_space<hbm>> -> memref<1x48x128xi32, #tpu.memory_space<hbm>>
        %dma_wait3A_159 = tpu.memref_squeeze %dma_wait3A_158 : memref<1x48x128xi32, #tpu.memory_space<hbm>> -> memref<48x128xi32, #tpu.memory_space<hbm>>
        tpu.wait_dma2 semaphore(%run_scoped3A : memref<!tpu.dma_semaphore, #tpu.memory_space<semaphore_mem>>) src(%dma_wait3A_159 : memref<48x128xi32, #tpu.memory_space<hbm>>) dst(%dma_wait3A_155 : memref<48x128xi32, #tpu.memory_space<vmem>>)
        tpu.yield
      }) : () -> ()
      "tpu.region"() ({
        %run_scoped3A = tpu.sem_alloc : memref<!tpu.dma_semaphore, #tpu.memory_space<semaphore_mem>>
        %dma_start3A_133 = arith.constant 0 : i32
        %dma_start3A_134 = arith.constant 0 : i32
        %dma_start3A_135 = tpu.memref_slice %arg10[%dma_start3A_133, %dma_start3A_134] : memref<48x128xi32, #tpu.memory_space<vmem>> -> memref<48x128xi32, #tpu.memory_space<vmem>>
        %dma_start3A_136 = arith.constant 48 : i32
        %dma_start3A_137 = arith.constant 0 : i32
        %dma_start3A_138 = tpu.memref_slice %arg4[%arg1, %dma_start3A_136, %dma_start3A_137] : memref<16x152x128xi32, #tpu.memory_space<hbm>> -> memref<1x48x128xi32, #tpu.memory_space<hbm>>
        %dma_start3A_139 = tpu.memref_squeeze %dma_start3A_138 : memref<1x48x128xi32, #tpu.memory_space<hbm>> -> memref<48x128xi32, #tpu.memory_space<hbm>>
        %dma_start3A_140 = arith.constant 0 : i32
        %dma_start3A_141 = arith.constant 0 : i32
        %dma_start3A_142 = tpu.memref_slice %arg10[%dma_start3A_140, %dma_start3A_141] : memref<48x128xi32, #tpu.memory_space<vmem>> -> memref<48x128xi32, #tpu.memory_space<vmem>>
        %dma_start3A_143 = arith.constant 48 : i32
        %dma_start3A_144 = arith.constant 0 : i32
        %dma_start3A_145 = tpu.memref_slice %arg4[%arg1, %dma_start3A_143, %dma_start3A_144] : memref<16x152x128xi32, #tpu.memory_space<hbm>> -> memref<1x48x128xi32, #tpu.memory_space<hbm>>
        %dma_start3A_146 = tpu.memref_squeeze %dma_start3A_145 : memref<1x48x128xi32, #tpu.memory_space<hbm>> -> memref<48x128xi32, #tpu.memory_space<hbm>>
        tpu.enqueue_dma source(%dma_start3A_146 : memref<48x128xi32, #tpu.memory_space<hbm>>) target(%dma_start3A_142 : memref<48x128xi32, #tpu.memory_space<vmem>>) target_semaphore(%run_scoped3A : memref<!tpu.dma_semaphore, #tpu.memory_space<semaphore_mem>>)
        %dma_wait3A = arith.constant 0 : i32
        %dma_wait3A_147 = arith.constant 0 : i32
        %dma_wait3A_148 = tpu.memref_slice %arg10[%dma_wait3A, %dma_wait3A_147] : memref<48x128xi32, #tpu.memory_space<vmem>> -> memref<48x128xi32, #tpu.memory_space<vmem>>
        %dma_wait3A_149 = arith.constant 48 : i32
        %dma_wait3A_150 = arith.constant 0 : i32
        %dma_wait3A_151 = tpu.memref_slice %arg4[%arg1, %dma_wait3A_149, %dma_wait3A_150] : memref<16x152x128xi32, #tpu.memory_space<hbm>> -> memref<1x48x128xi32, #tpu.memory_space<hbm>>
        %dma_wait3A_152 = tpu.memref_squeeze %dma_wait3A_151 : memref<1x48x128xi32, #tpu.memory_space<hbm>> -> memref<48x128xi32, #tpu.memory_space<hbm>>
        %dma_wait3A_153 = arith.constant 0 : i32
        %dma_wait3A_154 = arith.constant 0 : i32
        %dma_wait3A_155 = tpu.memref_slice %arg10[%dma_wait3A_153, %dma_wait3A_154] : memref<48x128xi32, #tpu.memory_space<vmem>> -> memref<48x128xi32, #tpu.memory_space<vmem>>
        %dma_wait3A_156 = arith.constant 48 : i32
        %dma_wait3A_157 = arith.constant 0 : i32
        %dma_wait3A_158 = tpu.memref_slice %arg4[%arg1, %dma_wait3A_156, %dma_wait3A_157] : memref<16x152x128xi32, #tpu.memory_space<hbm>> -> memref<1x48x128xi32, #tpu.memory_space<hbm>>
        %dma_wait3A_159 = tpu.memref_squeeze %dma_wait3A_158 : memref<1x48x128xi32, #tpu.memory_space<hbm>> -> memref<48x128xi32, #tpu.memory_space<hbm>>
        tpu.wait_dma2 semaphore(%run_scoped3A : memref<!tpu.dma_semaphore, #tpu.memory_space<semaphore_mem>>) src(%dma_wait3A_159 : memref<48x128xi32, #tpu.memory_space<hbm>>) dst(%dma_wait3A_155 : memref<48x128xi32, #tpu.memory_space<vmem>>)
        tpu.yield
      }) : () -> ()
      %dma_start3A_43 = arith.constant 0 : i32
      %dma_start3A_44 = arith.constant 0 : i32
      %dma_start3A_45 = arith.constant 0 : i32
      %dma_start3A_46 = arith.constant 0 : i32
      %dma_start3A_47 = tpu.memref_slice %arg11[%dma_start3A_44, %dma_start3A_45, %dma_start3A_46] : memref<2x128x128xf32, #tpu.memory_space<vmem>> -> memref<1x128x128xf32, #tpu.memory_space<vmem>>
      %dma_start3A_48 = tpu.memref_squeeze %dma_start3A_47 : memref<1x128x128xf32, #tpu.memory_space<vmem>> -> memref<128x128xf32, #tpu.memory_space<vmem>>
      %dma_start3A_49 = arith.constant 0 : i32
      %dma_start3A_50 = tpu.memref_slice %arg9[%dma_start3A_43, %dma_start3A_49] : memref<48x128xi32, #tpu.memory_space<vmem>> -> memref<1x128xi32, #tpu.memory_space<vmem>>
      %dma_start3A_51 = tpu.memref_squeeze %dma_start3A_50 : memref<1x128xi32, #tpu.memory_space<vmem>> -> memref<128xi32, #tpu.memory_space<vmem>>
      %dma_start3A_52 = arith.constant 0 : i32
      %dma_start3A_53 = arith.constant 0 : i32
      %dma_start3A_54 = tpu.memref_slice %arg2[%dma_start3A_52, %dma_start3A_53] : memref<10000x128xf32, #tpu.memory_space<hbm>> -> memref<10000x128xf32, #tpu.memory_space<hbm>>
      tpu.enqueue_indirect_dma source(%dma_start3A_54 : memref<10000x128xf32, #tpu.memory_space<hbm>>) target(%dma_start3A_48 : memref<128x128xf32, #tpu.memory_space<vmem>>) offsets(%dma_start3A_51 : memref<128xi32, #tpu.memory_space<vmem>>) semaphore(%arg13 : memref<!tpu.dma_semaphore, #tpu.memory_space<semaphore_mem>>)
      %dma_start3A_55 = arith.constant 1 : i32
      %dma_start3A_56 = arith.constant 1 : i32
      %dma_start3A_57 = arith.constant 0 : i32
      %dma_start3A_58 = arith.constant 0 : i32
      %dma_start3A_59 = tpu.memref_slice %arg11[%dma_start3A_56, %dma_start3A_57, %dma_start3A_58] : memref<2x128x128xf32, #tpu.memory_space<vmem>> -> memref<1x128x128xf32, #tpu.memory_space<vmem>>
      %dma_start3A_60 = tpu.memref_squeeze %dma_start3A_59 : memref<1x128x128xf32, #tpu.memory_space<vmem>> -> memref<128x128xf32, #tpu.memory_space<vmem>>
      %dma_start3A_61 = arith.constant 0 : i32
      %dma_start3A_62 = tpu.memref_slice %arg9[%dma_start3A_55, %dma_start3A_61] : memref<48x128xi32, #tpu.memory_space<vmem>> -> memref<1x128xi32, #tpu.memory_space<vmem>>
      %dma_start3A_63 = tpu.memref_squeeze %dma_start3A_62 : memref<1x128xi32, #tpu.memory_space<vmem>> -> memref<128xi32, #tpu.memory_space<vmem>>
      %dma_start3A_64 = arith.constant 0 : i32
      %dma_start3A_65 = arith.constant 0 : i32
      %dma_start3A_66 = tpu.memref_slice %arg2[%dma_start3A_64, %dma_start3A_65] : memref<10000x128xf32, #tpu.memory_space<hbm>> -> memref<10000x128xf32, #tpu.memory_space<hbm>>
      tpu.enqueue_indirect_dma source(%dma_start3A_66 : memref<10000x128xf32, #tpu.memory_space<hbm>>) target(%dma_start3A_60 : memref<128x128xf32, #tpu.memory_space<vmem>>) offsets(%dma_start3A_63 : memref<128xi32, #tpu.memory_space<vmem>>) semaphore(%arg14 : memref<!tpu.dma_semaphore, #tpu.memory_space<semaphore_mem>>)
      %scan3A_67 = arith.constant 0 : i32
      %scan3A_68 = arith.constant 0 : i32
      %scan3A_69 = arith.constant 24 : i32
      %scan3A_70 = arith.addi %scan3A_68, %scan3A_69 : i32
      %scan3A_71 = arith.constant 1 : i32
      scf.for %scan3A_133 = %scan3A_68 to %scan3A_70 step %scan3A_71  : i32 {
        %mul3A_134 = arith.constant 2 : i32
        %mul3A_135 = arith.muli %scan3A_133, %mul3A_134 : i32
        %add3A = arith.constant 0 : i32
        %add3A_136 = arith.addi %mul3A_135, %add3A : i32
        %dma_wait3A = arith.constant 0 : i32
        %dma_wait3A_137 = arith.constant 0 : i32
        %dma_wait3A_138 = arith.constant 0 : i32
        %dma_wait3A_139 = tpu.memref_slice %arg11[%dma_wait3A, %dma_wait3A_137, %dma_wait3A_138] : memref<2x128x128xf32, #tpu.memory_space<vmem>> -> memref<1x128x128xf32, #tpu.memory_space<vmem>>
        %dma_wait3A_140 = tpu.memref_squeeze %dma_wait3A_139 : memref<1x128x128xf32, #tpu.memory_space<vmem>> -> memref<128x128xf32, #tpu.memory_space<vmem>>
        %dma_wait3A_141 = arith.constant 0 : i32
        %dma_wait3A_142 = tpu.memref_slice %arg9[%add3A_136, %dma_wait3A_141] : memref<48x128xi32, #tpu.memory_space<vmem>> -> memref<1x128xi32, #tpu.memory_space<vmem>>
        %dma_wait3A_143 = tpu.memref_squeeze %dma_wait3A_142 : memref<1x128xi32, #tpu.memory_space<vmem>> -> memref<128xi32, #tpu.memory_space<vmem>>
        %dma_wait3A_144 = arith.constant 0 : i32
        %dma_wait3A_145 = arith.constant 0 : i32
        %dma_wait3A_146 = tpu.memref_slice %arg2[%dma_wait3A_144, %dma_wait3A_145] : memref<10000x128xf32, #tpu.memory_space<hbm>> -> memref<10000x128xf32, #tpu.memory_space<hbm>>
        tpu.wait_indirect_dma semaphore(%arg13 : memref<!tpu.dma_semaphore, #tpu.memory_space<semaphore_mem>>) src(%dma_wait3A_146 : memref<10000x128xf32, #tpu.memory_space<hbm>>) dst(%dma_wait3A_140 : memref<128x128xf32, #tpu.memory_space<vmem>>)
        %dma_start3A_147 = arith.constant 0 : i32
        %dma_start3A_148 = arith.constant 0 : i32
        %dma_start3A_149 = arith.constant 0 : i32
        %dma_start3A_150 = tpu.memref_slice %arg11[%dma_start3A_147, %dma_start3A_148, %dma_start3A_149] : memref<2x128x128xf32, #tpu.memory_space<vmem>> -> memref<1x128x128xf32, #tpu.memory_space<vmem>>
        %dma_start3A_151 = tpu.memref_squeeze %dma_start3A_150 : memref<1x128x128xf32, #tpu.memory_space<vmem>> -> memref<128x128xf32, #tpu.memory_space<vmem>>
        %dma_start3A_152 = arith.constant 0 : i32
        %dma_start3A_153 = tpu.memref_slice %arg10[%add3A_136, %dma_start3A_152] : memref<48x128xi32, #tpu.memory_space<vmem>> -> memref<1x128xi32, #tpu.memory_space<vmem>>
        %dma_start3A_154 = tpu.memref_squeeze %dma_start3A_153 : memref<1x128xi32, #tpu.memory_space<vmem>> -> memref<128xi32, #tpu.memory_space<vmem>>
        %dma_start3A_155 = arith.constant 0 : i32
        %dma_start3A_156 = arith.constant 0 : i32
        %dma_start3A_157 = tpu.memref_slice %arg12[%dma_start3A_155, %dma_start3A_156] : memref<10112x128xf32, #tpu.memory_space<vmem_shared>> -> memref<10112x128xf32, #tpu.memory_space<vmem_shared>>
        tpu.enqueue_indirect_dma source(%dma_start3A_151 : memref<128x128xf32, #tpu.memory_space<vmem>>) target(%dma_start3A_157 : memref<10112x128xf32, #tpu.memory_space<vmem_shared>>) offsets(%dma_start3A_154 : memref<128xi32, #tpu.memory_space<vmem>>) semaphore(%arg15 : memref<!tpu.dma_semaphore, #tpu.memory_space<semaphore_mem>>) {add = true}
        %mul3A_158 = arith.constant 2 : i32
        %mul3A_159 = arith.muli %scan3A_133, %mul3A_158 : i32
        %add3A_160 = arith.constant 1 : i32
        %add3A_161 = arith.addi %mul3A_159, %add3A_160 : i32
        %dma_wait3A_162 = arith.constant 1 : i32
        %dma_wait3A_163 = arith.constant 0 : i32
        %dma_wait3A_164 = arith.constant 0 : i32
        %dma_wait3A_165 = tpu.memref_slice %arg11[%dma_wait3A_162, %dma_wait3A_163, %dma_wait3A_164] : memref<2x128x128xf32, #tpu.memory_space<vmem>> -> memref<1x128x128xf32, #tpu.memory_space<vmem>>
        %dma_wait3A_166 = tpu.memref_squeeze %dma_wait3A_165 : memref<1x128x128xf32, #tpu.memory_space<vmem>> -> memref<128x128xf32, #tpu.memory_space<vmem>>
        %dma_wait3A_167 = arith.constant 0 : i32
        %dma_wait3A_168 = tpu.memref_slice %arg9[%add3A_161, %dma_wait3A_167] : memref<48x128xi32, #tpu.memory_space<vmem>> -> memref<1x128xi32, #tpu.memory_space<vmem>>
        %dma_wait3A_169 = tpu.memref_squeeze %dma_wait3A_168 : memref<1x128xi32, #tpu.memory_space<vmem>> -> memref<128xi32, #tpu.memory_space<vmem>>
        %dma_wait3A_170 = arith.constant 0 : i32
        %dma_wait3A_171 = arith.constant 0 : i32
        %dma_wait3A_172 = tpu.memref_slice %arg2[%dma_wait3A_170, %dma_wait3A_171] : memref<10000x128xf32, #tpu.memory_space<hbm>> -> memref<10000x128xf32, #tpu.memory_space<hbm>>
        tpu.wait_indirect_dma semaphore(%arg14 : memref<!tpu.dma_semaphore, #tpu.memory_space<semaphore_mem>>) src(%dma_wait3A_172 : memref<10000x128xf32, #tpu.memory_space<hbm>>) dst(%dma_wait3A_166 : memref<128x128xf32, #tpu.memory_space<vmem>>)
        %dma_start3A_173 = arith.constant 1 : i32
        %dma_start3A_174 = arith.constant 0 : i32
        %dma_start3A_175 = arith.constant 0 : i32
        %dma_start3A_176 = tpu.memref_slice %arg11[%dma_start3A_173, %dma_start3A_174, %dma_start3A_175] : memref<2x128x128xf32, #tpu.memory_space<vmem>> -> memref<1x128x128xf32, #tpu.memory_space<vmem>>
        %dma_start3A_177 = tpu.memref_squeeze %dma_start3A_176 : memref<1x128x128xf32, #tpu.memory_space<vmem>> -> memref<128x128xf32, #tpu.memory_space<vmem>>
        %dma_start3A_178 = arith.constant 0 : i32
        %dma_start3A_179 = tpu.memref_slice %arg10[%add3A_161, %dma_start3A_178] : memref<48x128xi32, #tpu.memory_space<vmem>> -> memref<1x128xi32, #tpu.memory_space<vmem>>
        %dma_start3A_180 = tpu.memref_squeeze %dma_start3A_179 : memref<1x128xi32, #tpu.memory_space<vmem>> -> memref<128xi32, #tpu.memory_space<vmem>>
        %dma_start3A_181 = arith.constant 0 : i32
        %dma_start3A_182 = arith.constant 0 : i32
        %dma_start3A_183 = tpu.memref_slice %arg12[%dma_start3A_181, %dma_start3A_182] : memref<10112x128xf32, #tpu.memory_space<vmem_shared>> -> memref<10112x128xf32, #tpu.memory_space<vmem_shared>>
        tpu.enqueue_indirect_dma source(%dma_start3A_177 : memref<128x128xf32, #tpu.memory_space<vmem>>) target(%dma_start3A_183 : memref<10112x128xf32, #tpu.memory_space<vmem_shared>>) offsets(%dma_start3A_180 : memref<128xi32, #tpu.memory_space<vmem>>) semaphore(%arg16 : memref<!tpu.dma_semaphore, #tpu.memory_space<semaphore_mem>>) {add = true}
        %mul3A_184 = arith.constant 2 : i32
        %mul3A_185 = arith.muli %scan3A_133, %mul3A_184 : i32
        %add3A_186 = arith.constant 0 : i32
        %add3A_187 = arith.addi %mul3A_185, %add3A_186 : i32
        %dma_wait3A_188 = arith.constant 0 : i32
        %dma_wait3A_189 = arith.constant 0 : i32
        %dma_wait3A_190 = arith.constant 0 : i32
        %dma_wait3A_191 = tpu.memref_slice %arg11[%dma_wait3A_188, %dma_wait3A_189, %dma_wait3A_190] : memref<2x128x128xf32, #tpu.memory_space<vmem>> -> memref<1x128x128xf32, #tpu.memory_space<vmem>>
        %dma_wait3A_192 = tpu.memref_squeeze %dma_wait3A_191 : memref<1x128x128xf32, #tpu.memory_space<vmem>> -> memref<128x128xf32, #tpu.memory_space<vmem>>
        %dma_wait3A_193 = arith.constant 0 : i32
        %dma_wait3A_194 = tpu.memref_slice %arg10[%add3A_187, %dma_wait3A_193] : memref<48x128xi32, #tpu.memory_space<vmem>> -> memref<1x128xi32, #tpu.memory_space<vmem>>
        %dma_wait3A_195 = tpu.memref_squeeze %dma_wait3A_194 : memref<1x128xi32, #tpu.memory_space<vmem>> -> memref<128xi32, #tpu.memory_space<vmem>>
        %dma_wait3A_196 = arith.constant 0 : i32
        %dma_wait3A_197 = arith.constant 0 : i32
        %dma_wait3A_198 = tpu.memref_slice %arg12[%dma_wait3A_196, %dma_wait3A_197] : memref<10112x128xf32, #tpu.memory_space<vmem_shared>> -> memref<10112x128xf32, #tpu.memory_space<vmem_shared>>
        tpu.wait_indirect_dma semaphore(%arg15 : memref<!tpu.dma_semaphore, #tpu.memory_space<semaphore_mem>>) src(%dma_wait3A_192 : memref<128x128xf32, #tpu.memory_space<vmem>>) dst(%dma_wait3A_198 : memref<10112x128xf32, #tpu.memory_space<vmem_shared>>)
        %add3A_199 = arith.constant 2 : i32
        %add3A_200 = arith.addi %add3A_187, %add3A_199 : i32
        %lt3A = arith.constant 48 : i32
        %lt3A_201 = arith.cmpi slt, %add3A_200, %lt3A : i32
        %convert_element_type3A_202 = arith.extui %lt3A_201 : i1 to i32
        %cond3A_203 = arith.constant 0 : i32
        %cond3A_204 = arith.cmpi ne, %convert_element_type3A_202, %cond3A_203 : i32
        scf.if %cond3A_204 {
          %add3A_227 = arith.constant 2 : i32
          %add3A_228 = arith.addi %add3A_187, %add3A_227 : i32
          %dma_start3A_229 = arith.constant 0 : i32
          %dma_start3A_230 = arith.constant 0 : i32
          %dma_start3A_231 = arith.constant 0 : i32
          %dma_start3A_232 = tpu.memref_slice %arg11[%dma_start3A_229, %dma_start3A_230, %dma_start3A_231] : memref<2x128x128xf32, #tpu.memory_space<vmem>> -> memref<1x128x128xf32, #tpu.memory_space<vmem>>
          %dma_start3A_233 = tpu.memref_squeeze %dma_start3A_232 : memref<1x128x128xf32, #tpu.memory_space<vmem>> -> memref<128x128xf32, #tpu.memory_space<vmem>>
          %dma_start3A_234 = arith.constant 0 : i32
          %dma_start3A_235 = tpu.memref_slice %arg9[%add3A_228, %dma_start3A_234] : memref<48x128xi32, #tpu.memory_space<vmem>> -> memref<1x128xi32, #tpu.memory_space<vmem>>
          %dma_start3A_236 = tpu.memref_squeeze %dma_start3A_235 : memref<1x128xi32, #tpu.memory_space<vmem>> -> memref<128xi32, #tpu.memory_space<vmem>>
          %dma_start3A_237 = arith.constant 0 : i32
          %dma_start3A_238 = arith.constant 0 : i32
          %dma_start3A_239 = tpu.memref_slice %arg2[%dma_start3A_237, %dma_start3A_238] : memref<10000x128xf32, #tpu.memory_space<hbm>> -> memref<10000x128xf32, #tpu.memory_space<hbm>>
          tpu.enqueue_indirect_dma source(%dma_start3A_239 : memref<10000x128xf32, #tpu.memory_space<hbm>>) target(%dma_start3A_233 : memref<128x128xf32, #tpu.memory_space<vmem>>) offsets(%dma_start3A_236 : memref<128xi32, #tpu.memory_space<vmem>>) semaphore(%arg13 : memref<!tpu.dma_semaphore, #tpu.memory_space<semaphore_mem>>)
        } else {
        }
        %mul3A_205 = arith.constant 2 : i32
        %mul3A_206 = arith.muli %scan3A_133, %mul3A_205 : i32
        %add3A_207 = arith.constant 1 : i32
        %add3A_208 = arith.addi %mul3A_206, %add3A_207 : i32
        %dma_wait3A_209 = arith.constant 1 : i32
        %dma_wait3A_210 = arith.constant 0 : i32
        %dma_wait3A_211 = arith.constant 0 : i32
        %dma_wait3A_212 = tpu.memref_slice %arg11[%dma_wait3A_209, %dma_wait3A_210, %dma_wait3A_211] : memref<2x128x128xf32, #tpu.memory_space<vmem>> -> memref<1x128x128xf32, #tpu.memory_space<vmem>>
        %dma_wait3A_213 = tpu.memref_squeeze %dma_wait3A_212 : memref<1x128x128xf32, #tpu.memory_space<vmem>> -> memref<128x128xf32, #tpu.memory_space<vmem>>
        %dma_wait3A_214 = arith.constant 0 : i32
        %dma_wait3A_215 = tpu.memref_slice %arg10[%add3A_208, %dma_wait3A_214] : memref<48x128xi32, #tpu.memory_space<vmem>> -> memref<1x128xi32, #tpu.memory_space<vmem>>
        %dma_wait3A_216 = tpu.memref_squeeze %dma_wait3A_215 : memref<1x128xi32, #tpu.memory_space<vmem>> -> memref<128xi32, #tpu.memory_space<vmem>>
        %dma_wait3A_217 = arith.constant 0 : i32
        %dma_wait3A_218 = arith.constant 0 : i32
        %dma_wait3A_219 = tpu.memref_slice %arg12[%dma_wait3A_217, %dma_wait3A_218] : memref<10112x128xf32, #tpu.memory_space<vmem_shared>> -> memref<10112x128xf32, #tpu.memory_space<vmem_shared>>
        tpu.wait_indirect_dma semaphore(%arg16 : memref<!tpu.dma_semaphore, #tpu.memory_space<semaphore_mem>>) src(%dma_wait3A_213 : memref<128x128xf32, #tpu.memory_space<vmem>>) dst(%dma_wait3A_219 : memref<10112x128xf32, #tpu.memory_space<vmem_shared>>)
        %add3A_220 = arith.constant 2 : i32
        %add3A_221 = arith.addi %add3A_208, %add3A_220 : i32
        %lt3A_222 = arith.constant 48 : i32
        %lt3A_223 = arith.cmpi slt, %add3A_221, %lt3A_222 : i32
        %convert_element_type3A_224 = arith.extui %lt3A_223 : i1 to i32
        %cond3A_225 = arith.constant 0 : i32
        %cond3A_226 = arith.cmpi ne, %convert_element_type3A_224, %cond3A_225 : i32
        scf.if %cond3A_226 {
          %add3A_227 = arith.constant 2 : i32
          %add3A_228 = arith.addi %add3A_208, %add3A_227 : i32
          %dma_start3A_229 = arith.constant 1 : i32
          %dma_start3A_230 = arith.constant 0 : i32
          %dma_start3A_231 = arith.constant 0 : i32
          %dma_start3A_232 = tpu.memref_slice %arg11[%dma_start3A_229, %dma_start3A_230, %dma_start3A_231] : memref<2x128x128xf32, #tpu.memory_space<vmem>> -> memref<1x128x128xf32, #tpu.memory_space<vmem>>
          %dma_start3A_233 = tpu.memref_squeeze %dma_start3A_232 : memref<1x128x128xf32, #tpu.memory_space<vmem>> -> memref<128x128xf32, #tpu.memory_space<vmem>>
          %dma_start3A_234 = arith.constant 0 : i32
          %dma_start3A_235 = tpu.memref_slice %arg9[%add3A_228, %dma_start3A_234] : memref<48x128xi32, #tpu.memory_space<vmem>> -> memref<1x128xi32, #tpu.memory_space<vmem>>
          %dma_start3A_236 = tpu.memref_squeeze %dma_start3A_235 : memref<1x128xi32, #tpu.memory_space<vmem>> -> memref<128xi32, #tpu.memory_space<vmem>>
          %dma_start3A_237 = arith.constant 0 : i32
          %dma_start3A_238 = arith.constant 0 : i32
          %dma_start3A_239 = tpu.memref_slice %arg2[%dma_start3A_237, %dma_start3A_238] : memref<10000x128xf32, #tpu.memory_space<hbm>> -> memref<10000x128xf32, #tpu.memory_space<hbm>>
          tpu.enqueue_indirect_dma source(%dma_start3A_239 : memref<10000x128xf32, #tpu.memory_space<hbm>>) target(%dma_start3A_233 : memref<128x128xf32, #tpu.memory_space<vmem>>) offsets(%dma_start3A_236 : memref<128xi32, #tpu.memory_space<vmem>>) semaphore(%arg14 : memref<!tpu.dma_semaphore, #tpu.memory_space<semaphore_mem>>)
        } else {
        }
      }
      %scan3A_72 = arith.constant 24 : i32
      "tpu.region"() ({
        %run_scoped3A = tpu.sem_alloc : memref<!tpu.dma_semaphore, #tpu.memory_space<semaphore_mem>>
        %dma_start3A_133 = arith.constant 0 : i32
        %dma_start3A_134 = arith.constant 0 : i32
        %dma_start3A_135 = tpu.memref_slice %arg9[%dma_start3A_133, %dma_start3A_134] : memref<48x128xi32, #tpu.memory_space<vmem>> -> memref<48x128xi32, #tpu.memory_space<vmem>>
        %dma_start3A_136 = arith.constant 96 : i32
        %dma_start3A_137 = arith.constant 0 : i32
        %dma_start3A_138 = tpu.memref_slice %arg3[%arg1, %dma_start3A_136, %dma_start3A_137] : memref<16x152x128xi32, #tpu.memory_space<hbm>> -> memref<1x48x128xi32, #tpu.memory_space<hbm>>
        %dma_start3A_139 = tpu.memref_squeeze %dma_start3A_138 : memref<1x48x128xi32, #tpu.memory_space<hbm>> -> memref<48x128xi32, #tpu.memory_space<hbm>>
        %dma_start3A_140 = arith.constant 0 : i32
        %dma_start3A_141 = arith.constant 0 : i32
        %dma_start3A_142 = tpu.memref_slice %arg9[%dma_start3A_140, %dma_start3A_141] : memref<48x128xi32, #tpu.memory_space<vmem>> -> memref<48x128xi32, #tpu.memory_space<vmem>>
        %dma_start3A_143 = arith.constant 96 : i32
        %dma_start3A_144 = arith.constant 0 : i32
        %dma_start3A_145 = tpu.memref_slice %arg3[%arg1, %dma_start3A_143, %dma_start3A_144] : memref<16x152x128xi32, #tpu.memory_space<hbm>> -> memref<1x48x128xi32, #tpu.memory_space<hbm>>
        %dma_start3A_146 = tpu.memref_squeeze %dma_start3A_145 : memref<1x48x128xi32, #tpu.memory_space<hbm>> -> memref<48x128xi32, #tpu.memory_space<hbm>>
        tpu.enqueue_dma source(%dma_start3A_146 : memref<48x128xi32, #tpu.memory_space<hbm>>) target(%dma_start3A_142 : memref<48x128xi32, #tpu.memory_space<vmem>>) target_semaphore(%run_scoped3A : memref<!tpu.dma_semaphore, #tpu.memory_space<semaphore_mem>>)
        %dma_wait3A = arith.constant 0 : i32
        %dma_wait3A_147 = arith.constant 0 : i32
        %dma_wait3A_148 = tpu.memref_slice %arg9[%dma_wait3A, %dma_wait3A_147] : memref<48x128xi32, #tpu.memory_space<vmem>> -> memref<48x128xi32, #tpu.memory_space<vmem>>
        %dma_wait3A_149 = arith.constant 96 : i32
        %dma_wait3A_150 = arith.constant 0 : i32
        %dma_wait3A_151 = tpu.memref_slice %arg3[%arg1, %dma_wait3A_149, %dma_wait3A_150] : memref<16x152x128xi32, #tpu.memory_space<hbm>> -> memref<1x48x128xi32, #tpu.memory_space<hbm>>
        %dma_wait3A_152 = tpu.memref_squeeze %dma_wait3A_151 : memref<1x48x128xi32, #tpu.memory_space<hbm>> -> memref<48x128xi32, #tpu.memory_space<hbm>>
        %dma_wait3A_153 = arith.constant 0 : i32
        %dma_wait3A_154 = arith.constant 0 : i32
        %dma_wait3A_155 = tpu.memref_slice %arg9[%dma_wait3A_153, %dma_wait3A_154] : memref<48x128xi32, #tpu.memory_space<vmem>> -> memref<48x128xi32, #tpu.memory_space<vmem>>
        %dma_wait3A_156 = arith.constant 96 : i32
        %dma_wait3A_157 = arith.constant 0 : i32
        %dma_wait3A_158 = tpu.memref_slice %arg3[%arg1, %dma_wait3A_156, %dma_wait3A_157] : memref<16x152x128xi32, #tpu.memory_space<hbm>> -> memref<1x48x128xi32, #tpu.memory_space<hbm>>
        %dma_wait3A_159 = tpu.memref_squeeze %dma_wait3A_158 : memref<1x48x128xi32, #tpu.memory_space<hbm>> -> memref<48x128xi32, #tpu.memory_space<hbm>>
        tpu.wait_dma2 semaphore(%run_scoped3A : memref<!tpu.dma_semaphore, #tpu.memory_space<semaphore_mem>>) src(%dma_wait3A_159 : memref<48x128xi32, #tpu.memory_space<hbm>>) dst(%dma_wait3A_155 : memref<48x128xi32, #tpu.memory_space<vmem>>)
        tpu.yield
      }) : () -> ()
      "tpu.region"() ({
        %run_scoped3A = tpu.sem_alloc : memref<!tpu.dma_semaphore, #tpu.memory_space<semaphore_mem>>
        %dma_start3A_133 = arith.constant 0 : i32
        %dma_start3A_134 = arith.constant 0 : i32
        %dma_start3A_135 = tpu.memref_slice %arg10[%dma_start3A_133, %dma_start3A_134] : memref<48x128xi32, #tpu.memory_space<vmem>> -> memref<48x128xi32, #tpu.memory_space<vmem>>
        %dma_start3A_136 = arith.constant 96 : i32
        %dma_start3A_137 = arith.constant 0 : i32
        %dma_start3A_138 = tpu.memref_slice %arg4[%arg1, %dma_start3A_136, %dma_start3A_137] : memref<16x152x128xi32, #tpu.memory_space<hbm>> -> memref<1x48x128xi32, #tpu.memory_space<hbm>>
        %dma_start3A_139 = tpu.memref_squeeze %dma_start3A_138 : memref<1x48x128xi32, #tpu.memory_space<hbm>> -> memref<48x128xi32, #tpu.memory_space<hbm>>
        %dma_start3A_140 = arith.constant 0 : i32
        %dma_start3A_141 = arith.constant 0 : i32
        %dma_start3A_142 = tpu.memref_slice %arg10[%dma_start3A_140, %dma_start3A_141] : memref<48x128xi32, #tpu.memory_space<vmem>> -> memref<48x128xi32, #tpu.memory_space<vmem>>
        %dma_start3A_143 = arith.constant 96 : i32
        %dma_start3A_144 = arith.constant 0 : i32
        %dma_start3A_145 = tpu.memref_slice %arg4[%arg1, %dma_start3A_143, %dma_start3A_144] : memref<16x152x128xi32, #tpu.memory_space<hbm>> -> memref<1x48x128xi32, #tpu.memory_space<hbm>>
        %dma_start3A_146 = tpu.memref_squeeze %dma_start3A_145 : memref<1x48x128xi32, #tpu.memory_space<hbm>> -> memref<48x128xi32, #tpu.memory_space<hbm>>
        tpu.enqueue_dma source(%dma_start3A_146 : memref<48x128xi32, #tpu.memory_space<hbm>>) target(%dma_start3A_142 : memref<48x128xi32, #tpu.memory_space<vmem>>) target_semaphore(%run_scoped3A : memref<!tpu.dma_semaphore, #tpu.memory_space<semaphore_mem>>)
        %dma_wait3A = arith.constant 0 : i32
        %dma_wait3A_147 = arith.constant 0 : i32
        %dma_wait3A_148 = tpu.memref_slice %arg10[%dma_wait3A, %dma_wait3A_147] : memref<48x128xi32, #tpu.memory_space<vmem>> -> memref<48x128xi32, #tpu.memory_space<vmem>>
        %dma_wait3A_149 = arith.constant 96 : i32
        %dma_wait3A_150 = arith.constant 0 : i32
        %dma_wait3A_151 = tpu.memref_slice %arg4[%arg1, %dma_wait3A_149, %dma_wait3A_150] : memref<16x152x128xi32, #tpu.memory_space<hbm>> -> memref<1x48x128xi32, #tpu.memory_space<hbm>>
        %dma_wait3A_152 = tpu.memref_squeeze %dma_wait3A_151 : memref<1x48x128xi32, #tpu.memory_space<hbm>> -> memref<48x128xi32, #tpu.memory_space<hbm>>
        %dma_wait3A_153 = arith.constant 0 : i32
        %dma_wait3A_154 = arith.constant 0 : i32
        %dma_wait3A_155 = tpu.memref_slice %arg10[%dma_wait3A_153, %dma_wait3A_154] : memref<48x128xi32, #tpu.memory_space<vmem>> -> memref<48x128xi32, #tpu.memory_space<vmem>>
        %dma_wait3A_156 = arith.constant 96 : i32
        %dma_wait3A_157 = arith.constant 0 : i32
        %dma_wait3A_158 = tpu.memref_slice %arg4[%arg1, %dma_wait3A_156, %dma_wait3A_157] : memref<16x152x128xi32, #tpu.memory_space<hbm>> -> memref<1x48x128xi32, #tpu.memory_space<hbm>>
        %dma_wait3A_159 = tpu.memref_squeeze %dma_wait3A_158 : memref<1x48x128xi32, #tpu.memory_space<hbm>> -> memref<48x128xi32, #tpu.memory_space<hbm>>
        tpu.wait_dma2 semaphore(%run_scoped3A : memref<!tpu.dma_semaphore, #tpu.memory_space<semaphore_mem>>) src(%dma_wait3A_159 : memref<48x128xi32, #tpu.memory_space<hbm>>) dst(%dma_wait3A_155 : memref<48x128xi32, #tpu.memory_space<vmem>>)
        tpu.yield
      }) : () -> ()
      %dma_start3A_73 = arith.constant 0 : i32
      %dma_start3A_74 = arith.constant 0 : i32
      %dma_start3A_75 = arith.constant 0 : i32
      %dma_start3A_76 = arith.constant 0 : i32
      %dma_start3A_77 = tpu.memref_slice %arg11[%dma_start3A_74, %dma_start3A_75, %dma_start3A_76] : memref<2x128x128xf32, #tpu.memory_space<vmem>> -> memref<1x128x128xf32, #tpu.memory_space<vmem>>
      %dma_start3A_78 = tpu.memref_squeeze %dma_start3A_77 : memref<1x128x128xf32, #tpu.memory_space<vmem>> -> memref<128x128xf32, #tpu.memory_space<vmem>>
      %dma_start3A_79 = arith.constant 0 : i32
      %dma_start3A_80 = tpu.memref_slice %arg9[%dma_start3A_73, %dma_start3A_79] : memref<48x128xi32, #tpu.memory_space<vmem>> -> memref<1x128xi32, #tpu.memory_space<vmem>>
      %dma_start3A_81 = tpu.memref_squeeze %dma_start3A_80 : memref<1x128xi32, #tpu.memory_space<vmem>> -> memref<128xi32, #tpu.memory_space<vmem>>
      %dma_start3A_82 = arith.constant 0 : i32
      %dma_start3A_83 = arith.constant 0 : i32
      %dma_start3A_84 = tpu.memref_slice %arg2[%dma_start3A_82, %dma_start3A_83] : memref<10000x128xf32, #tpu.memory_space<hbm>> -> memref<10000x128xf32, #tpu.memory_space<hbm>>
      tpu.enqueue_indirect_dma source(%dma_start3A_84 : memref<10000x128xf32, #tpu.memory_space<hbm>>) target(%dma_start3A_78 : memref<128x128xf32, #tpu.memory_space<vmem>>) offsets(%dma_start3A_81 : memref<128xi32, #tpu.memory_space<vmem>>) semaphore(%arg13 : memref<!tpu.dma_semaphore, #tpu.memory_space<semaphore_mem>>)
      %dma_start3A_85 = arith.constant 1 : i32
      %dma_start3A_86 = arith.constant 1 : i32
      %dma_start3A_87 = arith.constant 0 : i32
      %dma_start3A_88 = arith.constant 0 : i32
      %dma_start3A_89 = tpu.memref_slice %arg11[%dma_start3A_86, %dma_start3A_87, %dma_start3A_88] : memref<2x128x128xf32, #tpu.memory_space<vmem>> -> memref<1x128x128xf32, #tpu.memory_space<vmem>>
      %dma_start3A_90 = tpu.memref_squeeze %dma_start3A_89 : memref<1x128x128xf32, #tpu.memory_space<vmem>> -> memref<128x128xf32, #tpu.memory_space<vmem>>
      %dma_start3A_91 = arith.constant 0 : i32
      %dma_start3A_92 = tpu.memref_slice %arg9[%dma_start3A_85, %dma_start3A_91] : memref<48x128xi32, #tpu.memory_space<vmem>> -> memref<1x128xi32, #tpu.memory_space<vmem>>
      %dma_start3A_93 = tpu.memref_squeeze %dma_start3A_92 : memref<1x128xi32, #tpu.memory_space<vmem>> -> memref<128xi32, #tpu.memory_space<vmem>>
      %dma_start3A_94 = arith.constant 0 : i32
      %dma_start3A_95 = arith.constant 0 : i32
      %dma_start3A_96 = tpu.memref_slice %arg2[%dma_start3A_94, %dma_start3A_95] : memref<10000x128xf32, #tpu.memory_space<hbm>> -> memref<10000x128xf32, #tpu.memory_space<hbm>>
      tpu.enqueue_indirect_dma source(%dma_start3A_96 : memref<10000x128xf32, #tpu.memory_space<hbm>>) target(%dma_start3A_90 : memref<128x128xf32, #tpu.memory_space<vmem>>) offsets(%dma_start3A_93 : memref<128xi32, #tpu.memory_space<vmem>>) semaphore(%arg14 : memref<!tpu.dma_semaphore, #tpu.memory_space<semaphore_mem>>)
      %scan3A_97 = arith.constant 0 : i32
      %scan3A_98 = arith.constant 0 : i32
      %scan3A_99 = arith.constant 24 : i32
      %scan3A_100 = arith.addi %scan3A_98, %scan3A_99 : i32
      %scan3A_101 = arith.constant 1 : i32
      scf.for %scan3A_133 = %scan3A_98 to %scan3A_100 step %scan3A_101  : i32 {
        %mul3A_134 = arith.constant 2 : i32
        %mul3A_135 = arith.muli %scan3A_133, %mul3A_134 : i32
        %add3A = arith.constant 0 : i32
        %add3A_136 = arith.addi %mul3A_135, %add3A : i32
        %dma_wait3A = arith.constant 0 : i32
        %dma_wait3A_137 = arith.constant 0 : i32
        %dma_wait3A_138 = arith.constant 0 : i32
        %dma_wait3A_139 = tpu.memref_slice %arg11[%dma_wait3A, %dma_wait3A_137, %dma_wait3A_138] : memref<2x128x128xf32, #tpu.memory_space<vmem>> -> memref<1x128x128xf32, #tpu.memory_space<vmem>>
        %dma_wait3A_140 = tpu.memref_squeeze %dma_wait3A_139 : memref<1x128x128xf32, #tpu.memory_space<vmem>> -> memref<128x128xf32, #tpu.memory_space<vmem>>
        %dma_wait3A_141 = arith.constant 0 : i32
        %dma_wait3A_142 = tpu.memref_slice %arg9[%add3A_136, %dma_wait3A_141] : memref<48x128xi32, #tpu.memory_space<vmem>> -> memref<1x128xi32, #tpu.memory_space<vmem>>
        %dma_wait3A_143 = tpu.memref_squeeze %dma_wait3A_142 : memref<1x128xi32, #tpu.memory_space<vmem>> -> memref<128xi32, #tpu.memory_space<vmem>>
        %dma_wait3A_144 = arith.constant 0 : i32
        %dma_wait3A_145 = arith.constant 0 : i32
        %dma_wait3A_146 = tpu.memref_slice %arg2[%dma_wait3A_144, %dma_wait3A_145] : memref<10000x128xf32, #tpu.memory_space<hbm>> -> memref<10000x128xf32, #tpu.memory_space<hbm>>
        tpu.wait_indirect_dma semaphore(%arg13 : memref<!tpu.dma_semaphore, #tpu.memory_space<semaphore_mem>>) src(%dma_wait3A_146 : memref<10000x128xf32, #tpu.memory_space<hbm>>) dst(%dma_wait3A_140 : memref<128x128xf32, #tpu.memory_space<vmem>>)
        %dma_start3A_147 = arith.constant 0 : i32
        %dma_start3A_148 = arith.constant 0 : i32
        %dma_start3A_149 = arith.constant 0 : i32
        %dma_start3A_150 = tpu.memref_slice %arg11[%dma_start3A_147, %dma_start3A_148, %dma_start3A_149] : memref<2x128x128xf32, #tpu.memory_space<vmem>> -> memref<1x128x128xf32, #tpu.memory_space<vmem>>
        %dma_start3A_151 = tpu.memref_squeeze %dma_start3A_150 : memref<1x128x128xf32, #tpu.memory_space<vmem>> -> memref<128x128xf32, #tpu.memory_space<vmem>>
        %dma_start3A_152 = arith.constant 0 : i32
        %dma_start3A_153 = tpu.memref_slice %arg10[%add3A_136, %dma_start3A_152] : memref<48x128xi32, #tpu.memory_space<vmem>> -> memref<1x128xi32, #tpu.memory_space<vmem>>
        %dma_start3A_154 = tpu.memref_squeeze %dma_start3A_153 : memref<1x128xi32, #tpu.memory_space<vmem>> -> memref<128xi32, #tpu.memory_space<vmem>>
        %dma_start3A_155 = arith.constant 0 : i32
        %dma_start3A_156 = arith.constant 0 : i32
        %dma_start3A_157 = tpu.memref_slice %arg12[%dma_start3A_155, %dma_start3A_156] : memref<10112x128xf32, #tpu.memory_space<vmem_shared>> -> memref<10112x128xf32, #tpu.memory_space<vmem_shared>>
        tpu.enqueue_indirect_dma source(%dma_start3A_151 : memref<128x128xf32, #tpu.memory_space<vmem>>) target(%dma_start3A_157 : memref<10112x128xf32, #tpu.memory_space<vmem_shared>>) offsets(%dma_start3A_154 : memref<128xi32, #tpu.memory_space<vmem>>) semaphore(%arg15 : memref<!tpu.dma_semaphore, #tpu.memory_space<semaphore_mem>>) {add = true}
        %mul3A_158 = arith.constant 2 : i32
        %mul3A_159 = arith.muli %scan3A_133, %mul3A_158 : i32
        %add3A_160 = arith.constant 1 : i32
        %add3A_161 = arith.addi %mul3A_159, %add3A_160 : i32
        %dma_wait3A_162 = arith.constant 1 : i32
        %dma_wait3A_163 = arith.constant 0 : i32
        %dma_wait3A_164 = arith.constant 0 : i32
        %dma_wait3A_165 = tpu.memref_slice %arg11[%dma_wait3A_162, %dma_wait3A_163, %dma_wait3A_164] : memref<2x128x128xf32, #tpu.memory_space<vmem>> -> memref<1x128x128xf32, #tpu.memory_space<vmem>>
        %dma_wait3A_166 = tpu.memref_squeeze %dma_wait3A_165 : memref<1x128x128xf32, #tpu.memory_space<vmem>> -> memref<128x128xf32, #tpu.memory_space<vmem>>
        %dma_wait3A_167 = arith.constant 0 : i32
        %dma_wait3A_168 = tpu.memref_slice %arg9[%add3A_161, %dma_wait3A_167] : memref<48x128xi32, #tpu.memory_space<vmem>> -> memref<1x128xi32, #tpu.memory_space<vmem>>
        %dma_wait3A_169 = tpu.memref_squeeze %dma_wait3A_168 : memref<1x128xi32, #tpu.memory_space<vmem>> -> memref<128xi32, #tpu.memory_space<vmem>>
        %dma_wait3A_170 = arith.constant 0 : i32
        %dma_wait3A_171 = arith.constant 0 : i32
        %dma_wait3A_172 = tpu.memref_slice %arg2[%dma_wait3A_170, %dma_wait3A_171] : memref<10000x128xf32, #tpu.memory_space<hbm>> -> memref<10000x128xf32, #tpu.memory_space<hbm>>
        tpu.wait_indirect_dma semaphore(%arg14 : memref<!tpu.dma_semaphore, #tpu.memory_space<semaphore_mem>>) src(%dma_wait3A_172 : memref<10000x128xf32, #tpu.memory_space<hbm>>) dst(%dma_wait3A_166 : memref<128x128xf32, #tpu.memory_space<vmem>>)
        %dma_start3A_173 = arith.constant 1 : i32
        %dma_start3A_174 = arith.constant 0 : i32
        %dma_start3A_175 = arith.constant 0 : i32
        %dma_start3A_176 = tpu.memref_slice %arg11[%dma_start3A_173, %dma_start3A_174, %dma_start3A_175] : memref<2x128x128xf32, #tpu.memory_space<vmem>> -> memref<1x128x128xf32, #tpu.memory_space<vmem>>
        %dma_start3A_177 = tpu.memref_squeeze %dma_start3A_176 : memref<1x128x128xf32, #tpu.memory_space<vmem>> -> memref<128x128xf32, #tpu.memory_space<vmem>>
        %dma_start3A_178 = arith.constant 0 : i32
        %dma_start3A_179 = tpu.memref_slice %arg10[%add3A_161, %dma_start3A_178] : memref<48x128xi32, #tpu.memory_space<vmem>> -> memref<1x128xi32, #tpu.memory_space<vmem>>
        %dma_start3A_180 = tpu.memref_squeeze %dma_start3A_179 : memref<1x128xi32, #tpu.memory_space<vmem>> -> memref<128xi32, #tpu.memory_space<vmem>>
        %dma_start3A_181 = arith.constant 0 : i32
        %dma_start3A_182 = arith.constant 0 : i32
        %dma_start3A_183 = tpu.memref_slice %arg12[%dma_start3A_181, %dma_start3A_182] : memref<10112x128xf32, #tpu.memory_space<vmem_shared>> -> memref<10112x128xf32, #tpu.memory_space<vmem_shared>>
        tpu.enqueue_indirect_dma source(%dma_start3A_177 : memref<128x128xf32, #tpu.memory_space<vmem>>) target(%dma_start3A_183 : memref<10112x128xf32, #tpu.memory_space<vmem_shared>>) offsets(%dma_start3A_180 : memref<128xi32, #tpu.memory_space<vmem>>) semaphore(%arg16 : memref<!tpu.dma_semaphore, #tpu.memory_space<semaphore_mem>>) {add = true}
        %mul3A_184 = arith.constant 2 : i32
        %mul3A_185 = arith.muli %scan3A_133, %mul3A_184 : i32
        %add3A_186 = arith.constant 0 : i32
        %add3A_187 = arith.addi %mul3A_185, %add3A_186 : i32
        %dma_wait3A_188 = arith.constant 0 : i32
        %dma_wait3A_189 = arith.constant 0 : i32
        %dma_wait3A_190 = arith.constant 0 : i32
        %dma_wait3A_191 = tpu.memref_slice %arg11[%dma_wait3A_188, %dma_wait3A_189, %dma_wait3A_190] : memref<2x128x128xf32, #tpu.memory_space<vmem>> -> memref<1x128x128xf32, #tpu.memory_space<vmem>>
        %dma_wait3A_192 = tpu.memref_squeeze %dma_wait3A_191 : memref<1x128x128xf32, #tpu.memory_space<vmem>> -> memref<128x128xf32, #tpu.memory_space<vmem>>
        %dma_wait3A_193 = arith.constant 0 : i32
        %dma_wait3A_194 = tpu.memref_slice %arg10[%add3A_187, %dma_wait3A_193] : memref<48x128xi32, #tpu.memory_space<vmem>> -> memref<1x128xi32, #tpu.memory_space<vmem>>
        %dma_wait3A_195 = tpu.memref_squeeze %dma_wait3A_194 : memref<1x128xi32, #tpu.memory_space<vmem>> -> memref<128xi32, #tpu.memory_space<vmem>>
        %dma_wait3A_196 = arith.constant 0 : i32
        %dma_wait3A_197 = arith.constant 0 : i32
        %dma_wait3A_198 = tpu.memref_slice %arg12[%dma_wait3A_196, %dma_wait3A_197] : memref<10112x128xf32, #tpu.memory_space<vmem_shared>> -> memref<10112x128xf32, #tpu.memory_space<vmem_shared>>
        tpu.wait_indirect_dma semaphore(%arg15 : memref<!tpu.dma_semaphore, #tpu.memory_space<semaphore_mem>>) src(%dma_wait3A_192 : memref<128x128xf32, #tpu.memory_space<vmem>>) dst(%dma_wait3A_198 : memref<10112x128xf32, #tpu.memory_space<vmem_shared>>)
        %add3A_199 = arith.constant 2 : i32
        %add3A_200 = arith.addi %add3A_187, %add3A_199 : i32
        %lt3A = arith.constant 48 : i32
        %lt3A_201 = arith.cmpi slt, %add3A_200, %lt3A : i32
        %convert_element_type3A_202 = arith.extui %lt3A_201 : i1 to i32
        %cond3A_203 = arith.constant 0 : i32
        %cond3A_204 = arith.cmpi ne, %convert_element_type3A_202, %cond3A_203 : i32
        scf.if %cond3A_204 {
          %add3A_227 = arith.constant 2 : i32
          %add3A_228 = arith.addi %add3A_187, %add3A_227 : i32
          %dma_start3A_229 = arith.constant 0 : i32
          %dma_start3A_230 = arith.constant 0 : i32
          %dma_start3A_231 = arith.constant 0 : i32
          %dma_start3A_232 = tpu.memref_slice %arg11[%dma_start3A_229, %dma_start3A_230, %dma_start3A_231] : memref<2x128x128xf32, #tpu.memory_space<vmem>> -> memref<1x128x128xf32, #tpu.memory_space<vmem>>
          %dma_start3A_233 = tpu.memref_squeeze %dma_start3A_232 : memref<1x128x128xf32, #tpu.memory_space<vmem>> -> memref<128x128xf32, #tpu.memory_space<vmem>>
          %dma_start3A_234 = arith.constant 0 : i32
          %dma_start3A_235 = tpu.memref_slice %arg9[%add3A_228, %dma_start3A_234] : memref<48x128xi32, #tpu.memory_space<vmem>> -> memref<1x128xi32, #tpu.memory_space<vmem>>
          %dma_start3A_236 = tpu.memref_squeeze %dma_start3A_235 : memref<1x128xi32, #tpu.memory_space<vmem>> -> memref<128xi32, #tpu.memory_space<vmem>>
          %dma_start3A_237 = arith.constant 0 : i32
          %dma_start3A_238 = arith.constant 0 : i32
          %dma_start3A_239 = tpu.memref_slice %arg2[%dma_start3A_237, %dma_start3A_238] : memref<10000x128xf32, #tpu.memory_space<hbm>> -> memref<10000x128xf32, #tpu.memory_space<hbm>>
          tpu.enqueue_indirect_dma source(%dma_start3A_239 : memref<10000x128xf32, #tpu.memory_space<hbm>>) target(%dma_start3A_233 : memref<128x128xf32, #tpu.memory_space<vmem>>) offsets(%dma_start3A_236 : memref<128xi32, #tpu.memory_space<vmem>>) semaphore(%arg13 : memref<!tpu.dma_semaphore, #tpu.memory_space<semaphore_mem>>)
        } else {
        }
        %mul3A_205 = arith.constant 2 : i32
        %mul3A_206 = arith.muli %scan3A_133, %mul3A_205 : i32
        %add3A_207 = arith.constant 1 : i32
        %add3A_208 = arith.addi %mul3A_206, %add3A_207 : i32
        %dma_wait3A_209 = arith.constant 1 : i32
        %dma_wait3A_210 = arith.constant 0 : i32
        %dma_wait3A_211 = arith.constant 0 : i32
        %dma_wait3A_212 = tpu.memref_slice %arg11[%dma_wait3A_209, %dma_wait3A_210, %dma_wait3A_211] : memref<2x128x128xf32, #tpu.memory_space<vmem>> -> memref<1x128x128xf32, #tpu.memory_space<vmem>>
        %dma_wait3A_213 = tpu.memref_squeeze %dma_wait3A_212 : memref<1x128x128xf32, #tpu.memory_space<vmem>> -> memref<128x128xf32, #tpu.memory_space<vmem>>
        %dma_wait3A_214 = arith.constant 0 : i32
        %dma_wait3A_215 = tpu.memref_slice %arg10[%add3A_208, %dma_wait3A_214] : memref<48x128xi32, #tpu.memory_space<vmem>> -> memref<1x128xi32, #tpu.memory_space<vmem>>
        %dma_wait3A_216 = tpu.memref_squeeze %dma_wait3A_215 : memref<1x128xi32, #tpu.memory_space<vmem>> -> memref<128xi32, #tpu.memory_space<vmem>>
        %dma_wait3A_217 = arith.constant 0 : i32
        %dma_wait3A_218 = arith.constant 0 : i32
        %dma_wait3A_219 = tpu.memref_slice %arg12[%dma_wait3A_217, %dma_wait3A_218] : memref<10112x128xf32, #tpu.memory_space<vmem_shared>> -> memref<10112x128xf32, #tpu.memory_space<vmem_shared>>
        tpu.wait_indirect_dma semaphore(%arg16 : memref<!tpu.dma_semaphore, #tpu.memory_space<semaphore_mem>>) src(%dma_wait3A_213 : memref<128x128xf32, #tpu.memory_space<vmem>>) dst(%dma_wait3A_219 : memref<10112x128xf32, #tpu.memory_space<vmem_shared>>)
        %add3A_220 = arith.constant 2 : i32
        %add3A_221 = arith.addi %add3A_208, %add3A_220 : i32
        %lt3A_222 = arith.constant 48 : i32
        %lt3A_223 = arith.cmpi slt, %add3A_221, %lt3A_222 : i32
        %convert_element_type3A_224 = arith.extui %lt3A_223 : i1 to i32
        %cond3A_225 = arith.constant 0 : i32
        %cond3A_226 = arith.cmpi ne, %convert_element_type3A_224, %cond3A_225 : i32
        scf.if %cond3A_226 {
          %add3A_227 = arith.constant 2 : i32
          %add3A_228 = arith.addi %add3A_208, %add3A_227 : i32
          %dma_start3A_229 = arith.constant 1 : i32
          %dma_start3A_230 = arith.constant 0 : i32
          %dma_start3A_231 = arith.constant 0 : i32
          %dma_start3A_232 = tpu.memref_slice %arg11[%dma_start3A_229, %dma_start3A_230, %dma_start3A_231] : memref<2x128x128xf32, #tpu.memory_space<vmem>> -> memref<1x128x128xf32, #tpu.memory_space<vmem>>
          %dma_start3A_233 = tpu.memref_squeeze %dma_start3A_232 : memref<1x128x128xf32, #tpu.memory_space<vmem>> -> memref<128x128xf32, #tpu.memory_space<vmem>>
          %dma_start3A_234 = arith.constant 0 : i32
          %dma_start3A_235 = tpu.memref_slice %arg9[%add3A_228, %dma_start3A_234] : memref<48x128xi32, #tpu.memory_space<vmem>> -> memref<1x128xi32, #tpu.memory_space<vmem>>
          %dma_start3A_236 = tpu.memref_squeeze %dma_start3A_235 : memref<1x128xi32, #tpu.memory_space<vmem>> -> memref<128xi32, #tpu.memory_space<vmem>>
          %dma_start3A_237 = arith.constant 0 : i32
          %dma_start3A_238 = arith.constant 0 : i32
          %dma_start3A_239 = tpu.memref_slice %arg2[%dma_start3A_237, %dma_start3A_238] : memref<10000x128xf32, #tpu.memory_space<hbm>> -> memref<10000x128xf32, #tpu.memory_space<hbm>>
          tpu.enqueue_indirect_dma source(%dma_start3A_239 : memref<10000x128xf32, #tpu.memory_space<hbm>>) target(%dma_start3A_233 : memref<128x128xf32, #tpu.memory_space<vmem>>) offsets(%dma_start3A_236 : memref<128xi32, #tpu.memory_space<vmem>>) semaphore(%arg14 : memref<!tpu.dma_semaphore, #tpu.memory_space<semaphore_mem>>)
        } else {
        }
      }
      %scan3A_102 = arith.constant 24 : i32
      "tpu.region"() ({
        %run_scoped3A = tpu.sem_alloc : memref<!tpu.dma_semaphore, #tpu.memory_space<semaphore_mem>>
        %dma_start3A_133 = arith.constant 0 : i32
        %dma_start3A_134 = arith.constant 0 : i32
        %dma_start3A_135 = tpu.memref_slice %arg9[%dma_start3A_133, %dma_start3A_134] : memref<48x128xi32, #tpu.memory_space<vmem>> -> memref<8x128xi32, #tpu.memory_space<vmem>>
        %dma_start3A_136 = arith.constant 144 : i32
        %dma_start3A_137 = arith.constant 0 : i32
        %dma_start3A_138 = tpu.memref_slice %arg3[%arg1, %dma_start3A_136, %dma_start3A_137] : memref<16x152x128xi32, #tpu.memory_space<hbm>> -> memref<1x8x128xi32, #tpu.memory_space<hbm>>
        %dma_start3A_139 = tpu.memref_squeeze %dma_start3A_138 : memref<1x8x128xi32, #tpu.memory_space<hbm>> -> memref<8x128xi32, #tpu.memory_space<hbm>>
        %dma_start3A_140 = arith.constant 0 : i32
        %dma_start3A_141 = arith.constant 0 : i32
        %dma_start3A_142 = tpu.memref_slice %arg9[%dma_start3A_140, %dma_start3A_141] : memref<48x128xi32, #tpu.memory_space<vmem>> -> memref<8x128xi32, #tpu.memory_space<vmem>>
        %dma_start3A_143 = arith.constant 144 : i32
        %dma_start3A_144 = arith.constant 0 : i32
        %dma_start3A_145 = tpu.memref_slice %arg3[%arg1, %dma_start3A_143, %dma_start3A_144] : memref<16x152x128xi32, #tpu.memory_space<hbm>> -> memref<1x8x128xi32, #tpu.memory_space<hbm>>
        %dma_start3A_146 = tpu.memref_squeeze %dma_start3A_145 : memref<1x8x128xi32, #tpu.memory_space<hbm>> -> memref<8x128xi32, #tpu.memory_space<hbm>>
        tpu.enqueue_dma source(%dma_start3A_146 : memref<8x128xi32, #tpu.memory_space<hbm>>) target(%dma_start3A_142 : memref<8x128xi32, #tpu.memory_space<vmem>>) target_semaphore(%run_scoped3A : memref<!tpu.dma_semaphore, #tpu.memory_space<semaphore_mem>>)
        %dma_wait3A = arith.constant 0 : i32
        %dma_wait3A_147 = arith.constant 0 : i32
        %dma_wait3A_148 = tpu.memref_slice %arg9[%dma_wait3A, %dma_wait3A_147] : memref<48x128xi32, #tpu.memory_space<vmem>> -> memref<8x128xi32, #tpu.memory_space<vmem>>
        %dma_wait3A_149 = arith.constant 144 : i32
        %dma_wait3A_150 = arith.constant 0 : i32
        %dma_wait3A_151 = tpu.memref_slice %arg3[%arg1, %dma_wait3A_149, %dma_wait3A_150] : memref<16x152x128xi32, #tpu.memory_space<hbm>> -> memref<1x8x128xi32, #tpu.memory_space<hbm>>
        %dma_wait3A_152 = tpu.memref_squeeze %dma_wait3A_151 : memref<1x8x128xi32, #tpu.memory_space<hbm>> -> memref<8x128xi32, #tpu.memory_space<hbm>>
        %dma_wait3A_153 = arith.constant 0 : i32
        %dma_wait3A_154 = arith.constant 0 : i32
        %dma_wait3A_155 = tpu.memref_slice %arg9[%dma_wait3A_153, %dma_wait3A_154] : memref<48x128xi32, #tpu.memory_space<vmem>> -> memref<8x128xi32, #tpu.memory_space<vmem>>
        %dma_wait3A_156 = arith.constant 144 : i32
        %dma_wait3A_157 = arith.constant 0 : i32
        %dma_wait3A_158 = tpu.memref_slice %arg3[%arg1, %dma_wait3A_156, %dma_wait3A_157] : memref<16x152x128xi32, #tpu.memory_space<hbm>> -> memref<1x8x128xi32, #tpu.memory_space<hbm>>
        %dma_wait3A_159 = tpu.memref_squeeze %dma_wait3A_158 : memref<1x8x128xi32, #tpu.memory_space<hbm>> -> memref<8x128xi32, #tpu.memory_space<hbm>>
        tpu.wait_dma2 semaphore(%run_scoped3A : memref<!tpu.dma_semaphore, #tpu.memory_space<semaphore_mem>>) src(%dma_wait3A_159 : memref<8x128xi32, #tpu.memory_space<hbm>>) dst(%dma_wait3A_155 : memref<8x128xi32, #tpu.memory_space<vmem>>)
        tpu.yield
      }) : () -> ()
      "tpu.region"() ({
        %run_scoped3A = tpu.sem_alloc : memref<!tpu.dma_semaphore, #tpu.memory_space<semaphore_mem>>
        %dma_start3A_133 = arith.constant 0 : i32
        %dma_start3A_134 = arith.constant 0 : i32
        %dma_start3A_135 = tpu.memref_slice %arg10[%dma_start3A_133, %dma_start3A_134] : memref<48x128xi32, #tpu.memory_space<vmem>> -> memref<8x128xi32, #tpu.memory_space<vmem>>
        %dma_start3A_136 = arith.constant 144 : i32
        %dma_start3A_137 = arith.constant 0 : i32
        %dma_start3A_138 = tpu.memref_slice %arg4[%arg1, %dma_start3A_136, %dma_start3A_137] : memref<16x152x128xi32, #tpu.memory_space<hbm>> -> memref<1x8x128xi32, #tpu.memory_space<hbm>>
        %dma_start3A_139 = tpu.memref_squeeze %dma_start3A_138 : memref<1x8x128xi32, #tpu.memory_space<hbm>> -> memref<8x128xi32, #tpu.memory_space<hbm>>
        %dma_start3A_140 = arith.constant 0 : i32
        %dma_start3A_141 = arith.constant 0 : i32
        %dma_start3A_142 = tpu.memref_slice %arg10[%dma_start3A_140, %dma_start3A_141] : memref<48x128xi32, #tpu.memory_space<vmem>> -> memref<8x128xi32, #tpu.memory_space<vmem>>
        %dma_start3A_143 = arith.constant 144 : i32
        %dma_start3A_144 = arith.constant 0 : i32
        %dma_start3A_145 = tpu.memref_slice %arg4[%arg1, %dma_start3A_143, %dma_start3A_144] : memref<16x152x128xi32, #tpu.memory_space<hbm>> -> memref<1x8x128xi32, #tpu.memory_space<hbm>>
        %dma_start3A_146 = tpu.memref_squeeze %dma_start3A_145 : memref<1x8x128xi32, #tpu.memory_space<hbm>> -> memref<8x128xi32, #tpu.memory_space<hbm>>
        tpu.enqueue_dma source(%dma_start3A_146 : memref<8x128xi32, #tpu.memory_space<hbm>>) target(%dma_start3A_142 : memref<8x128xi32, #tpu.memory_space<vmem>>) target_semaphore(%run_scoped3A : memref<!tpu.dma_semaphore, #tpu.memory_space<semaphore_mem>>)
        %dma_wait3A = arith.constant 0 : i32
        %dma_wait3A_147 = arith.constant 0 : i32
        %dma_wait3A_148 = tpu.memref_slice %arg10[%dma_wait3A, %dma_wait3A_147] : memref<48x128xi32, #tpu.memory_space<vmem>> -> memref<8x128xi32, #tpu.memory_space<vmem>>
        %dma_wait3A_149 = arith.constant 144 : i32
        %dma_wait3A_150 = arith.constant 0 : i32
        %dma_wait3A_151 = tpu.memref_slice %arg4[%arg1, %dma_wait3A_149, %dma_wait3A_150] : memref<16x152x128xi32, #tpu.memory_space<hbm>> -> memref<1x8x128xi32, #tpu.memory_space<hbm>>
        %dma_wait3A_152 = tpu.memref_squeeze %dma_wait3A_151 : memref<1x8x128xi32, #tpu.memory_space<hbm>> -> memref<8x128xi32, #tpu.memory_space<hbm>>
        %dma_wait3A_153 = arith.constant 0 : i32
        %dma_wait3A_154 = arith.constant 0 : i32
        %dma_wait3A_155 = tpu.memref_slice %arg10[%dma_wait3A_153, %dma_wait3A_154] : memref<48x128xi32, #tpu.memory_space<vmem>> -> memref<8x128xi32, #tpu.memory_space<vmem>>
        %dma_wait3A_156 = arith.constant 144 : i32
        %dma_wait3A_157 = arith.constant 0 : i32
        %dma_wait3A_158 = tpu.memref_slice %arg4[%arg1, %dma_wait3A_156, %dma_wait3A_157] : memref<16x152x128xi32, #tpu.memory_space<hbm>> -> memref<1x8x128xi32, #tpu.memory_space<hbm>>
        %dma_wait3A_159 = tpu.memref_squeeze %dma_wait3A_158 : memref<1x8x128xi32, #tpu.memory_space<hbm>> -> memref<8x128xi32, #tpu.memory_space<hbm>>
        tpu.wait_dma2 semaphore(%run_scoped3A : memref<!tpu.dma_semaphore, #tpu.memory_space<semaphore_mem>>) src(%dma_wait3A_159 : memref<8x128xi32, #tpu.memory_space<hbm>>) dst(%dma_wait3A_155 : memref<8x128xi32, #tpu.memory_space<vmem>>)
        tpu.yield
      }) : () -> ()
      %dma_start3A_103 = arith.constant 0 : i32
      %dma_start3A_104 = arith.constant 0 : i32
      %dma_start3A_105 = arith.constant 0 : i32
      %dma_start3A_106 = arith.constant 0 : i32
      %dma_start3A_107 = tpu.memref_slice %arg11[%dma_start3A_104, %dma_start3A_105, %dma_start3A_106] : memref<2x128x128xf32, #tpu.memory_space<vmem>> -> memref<1x128x128xf32, #tpu.memory_space<vmem>>
      %dma_start3A_108 = tpu.memref_squeeze %dma_start3A_107 : memref<1x128x128xf32, #tpu.memory_space<vmem>> -> memref<128x128xf32, #tpu.memory_space<vmem>>
      %dma_start3A_109 = arith.constant 0 : i32
      %dma_start3A_110 = tpu.memref_slice %arg9[%dma_start3A_103, %dma_start3A_109] : memref<48x128xi32, #tpu.memory_space<vmem>> -> memref<1x128xi32, #tpu.memory_space<vmem>>
      %dma_start3A_111 = tpu.memref_squeeze %dma_start3A_110 : memref<1x128xi32, #tpu.memory_space<vmem>> -> memref<128xi32, #tpu.memory_space<vmem>>
      %dma_start3A_112 = arith.constant 0 : i32
      %dma_start3A_113 = arith.constant 0 : i32
      %dma_start3A_114 = tpu.memref_slice %arg2[%dma_start3A_112, %dma_start3A_113] : memref<10000x128xf32, #tpu.memory_space<hbm>> -> memref<10000x128xf32, #tpu.memory_space<hbm>>
      tpu.enqueue_indirect_dma source(%dma_start3A_114 : memref<10000x128xf32, #tpu.memory_space<hbm>>) target(%dma_start3A_108 : memref<128x128xf32, #tpu.memory_space<vmem>>) offsets(%dma_start3A_111 : memref<128xi32, #tpu.memory_space<vmem>>) semaphore(%arg13 : memref<!tpu.dma_semaphore, #tpu.memory_space<semaphore_mem>>)
      %dma_start3A_115 = arith.constant 1 : i32
      %dma_start3A_116 = arith.constant 1 : i32
      %dma_start3A_117 = arith.constant 0 : i32
      %dma_start3A_118 = arith.constant 0 : i32
      %dma_start3A_119 = tpu.memref_slice %arg11[%dma_start3A_116, %dma_start3A_117, %dma_start3A_118] : memref<2x128x128xf32, #tpu.memory_space<vmem>> -> memref<1x128x128xf32, #tpu.memory_space<vmem>>
      %dma_start3A_120 = tpu.memref_squeeze %dma_start3A_119 : memref<1x128x128xf32, #tpu.memory_space<vmem>> -> memref<128x128xf32, #tpu.memory_space<vmem>>
      %dma_start3A_121 = arith.constant 0 : i32
      %dma_start3A_122 = tpu.memref_slice %arg9[%dma_start3A_115, %dma_start3A_121] : memref<48x128xi32, #tpu.memory_space<vmem>> -> memref<1x128xi32, #tpu.memory_space<vmem>>
      %dma_start3A_123 = tpu.memref_squeeze %dma_start3A_122 : memref<1x128xi32, #tpu.memory_space<vmem>> -> memref<128xi32, #tpu.memory_space<vmem>>
      %dma_start3A_124 = arith.constant 0 : i32
      %dma_start3A_125 = arith.constant 0 : i32
      %dma_start3A_126 = tpu.memref_slice %arg2[%dma_start3A_124, %dma_start3A_125] : memref<10000x128xf32, #tpu.memory_space<hbm>> -> memref<10000x128xf32, #tpu.memory_space<hbm>>
      tpu.enqueue_indirect_dma source(%dma_start3A_126 : memref<10000x128xf32, #tpu.memory_space<hbm>>) target(%dma_start3A_120 : memref<128x128xf32, #tpu.memory_space<vmem>>) offsets(%dma_start3A_123 : memref<128xi32, #tpu.memory_space<vmem>>) semaphore(%arg14 : memref<!tpu.dma_semaphore, #tpu.memory_space<semaphore_mem>>)
      %scan3A_127 = arith.constant 0 : i32
      %scan3A_128 = arith.constant 0 : i32
      %scan3A_129 = arith.constant 4 : i32
      %scan3A_130 = arith.addi %scan3A_128, %scan3A_129 : i32
      %scan3A_131 = arith.constant 1 : i32
      scf.for %scan3A_133 = %scan3A_128 to %scan3A_130 step %scan3A_131  : i32 {
        %mul3A_134 = arith.constant 2 : i32
        %mul3A_135 = arith.muli %scan3A_133, %mul3A_134 : i32
        %add3A = arith.constant 0 : i32
        %add3A_136 = arith.addi %mul3A_135, %add3A : i32
        %dma_wait3A = arith.constant 0 : i32
        %dma_wait3A_137 = arith.constant 0 : i32
        %dma_wait3A_138 = arith.constant 0 : i32
        %dma_wait3A_139 = tpu.memref_slice %arg11[%dma_wait3A, %dma_wait3A_137, %dma_wait3A_138] : memref<2x128x128xf32, #tpu.memory_space<vmem>> -> memref<1x128x128xf32, #tpu.memory_space<vmem>>
        %dma_wait3A_140 = tpu.memref_squeeze %dma_wait3A_139 : memref<1x128x128xf32, #tpu.memory_space<vmem>> -> memref<128x128xf32, #tpu.memory_space<vmem>>
        %dma_wait3A_141 = arith.constant 0 : i32
        %dma_wait3A_142 = tpu.memref_slice %arg9[%add3A_136, %dma_wait3A_141] : memref<48x128xi32, #tpu.memory_space<vmem>> -> memref<1x128xi32, #tpu.memory_space<vmem>>
        %dma_wait3A_143 = tpu.memref_squeeze %dma_wait3A_142 : memref<1x128xi32, #tpu.memory_space<vmem>> -> memref<128xi32, #tpu.memory_space<vmem>>
        %dma_wait3A_144 = arith.constant 0 : i32
        %dma_wait3A_145 = arith.constant 0 : i32
        %dma_wait3A_146 = tpu.memref_slice %arg2[%dma_wait3A_144, %dma_wait3A_145] : memref<10000x128xf32, #tpu.memory_space<hbm>> -> memref<10000x128xf32, #tpu.memory_space<hbm>>
        tpu.wait_indirect_dma semaphore(%arg13 : memref<!tpu.dma_semaphore, #tpu.memory_space<semaphore_mem>>) src(%dma_wait3A_146 : memref<10000x128xf32, #tpu.memory_space<hbm>>) dst(%dma_wait3A_140 : memref<128x128xf32, #tpu.memory_space<vmem>>)
        %dma_start3A_147 = arith.constant 0 : i32
        %dma_start3A_148 = arith.constant 0 : i32
        %dma_start3A_149 = arith.constant 0 : i32
        %dma_start3A_150 = tpu.memref_slice %arg11[%dma_start3A_147, %dma_start3A_148, %dma_start3A_149] : memref<2x128x128xf32, #tpu.memory_space<vmem>> -> memref<1x128x128xf32, #tpu.memory_space<vmem>>
        %dma_start3A_151 = tpu.memref_squeeze %dma_start3A_150 : memref<1x128x128xf32, #tpu.memory_space<vmem>> -> memref<128x128xf32, #tpu.memory_space<vmem>>
        %dma_start3A_152 = arith.constant 0 : i32
        %dma_start3A_153 = tpu.memref_slice %arg10[%add3A_136, %dma_start3A_152] : memref<48x128xi32, #tpu.memory_space<vmem>> -> memref<1x128xi32, #tpu.memory_space<vmem>>
        %dma_start3A_154 = tpu.memref_squeeze %dma_start3A_153 : memref<1x128xi32, #tpu.memory_space<vmem>> -> memref<128xi32, #tpu.memory_space<vmem>>
        %dma_start3A_155 = arith.constant 0 : i32
        %dma_start3A_156 = arith.constant 0 : i32
        %dma_start3A_157 = tpu.memref_slice %arg12[%dma_start3A_155, %dma_start3A_156] : memref<10112x128xf32, #tpu.memory_space<vmem_shared>> -> memref<10112x128xf32, #tpu.memory_space<vmem_shared>>
        tpu.enqueue_indirect_dma source(%dma_start3A_151 : memref<128x128xf32, #tpu.memory_space<vmem>>) target(%dma_start3A_157 : memref<10112x128xf32, #tpu.memory_space<vmem_shared>>) offsets(%dma_start3A_154 : memref<128xi32, #tpu.memory_space<vmem>>) semaphore(%arg15 : memref<!tpu.dma_semaphore, #tpu.memory_space<semaphore_mem>>) {add = true}
        %mul3A_158 = arith.constant 2 : i32
        %mul3A_159 = arith.muli %scan3A_133, %mul3A_158 : i32
        %add3A_160 = arith.constant 1 : i32
        %add3A_161 = arith.addi %mul3A_159, %add3A_160 : i32
        %dma_wait3A_162 = arith.constant 1 : i32
        %dma_wait3A_163 = arith.constant 0 : i32
        %dma_wait3A_164 = arith.constant 0 : i32
        %dma_wait3A_165 = tpu.memref_slice %arg11[%dma_wait3A_162, %dma_wait3A_163, %dma_wait3A_164] : memref<2x128x128xf32, #tpu.memory_space<vmem>> -> memref<1x128x128xf32, #tpu.memory_space<vmem>>
        %dma_wait3A_166 = tpu.memref_squeeze %dma_wait3A_165 : memref<1x128x128xf32, #tpu.memory_space<vmem>> -> memref<128x128xf32, #tpu.memory_space<vmem>>
        %dma_wait3A_167 = arith.constant 0 : i32
        %dma_wait3A_168 = tpu.memref_slice %arg9[%add3A_161, %dma_wait3A_167] : memref<48x128xi32, #tpu.memory_space<vmem>> -> memref<1x128xi32, #tpu.memory_space<vmem>>
        %dma_wait3A_169 = tpu.memref_squeeze %dma_wait3A_168 : memref<1x128xi32, #tpu.memory_space<vmem>> -> memref<128xi32, #tpu.memory_space<vmem>>
        %dma_wait3A_170 = arith.constant 0 : i32
        %dma_wait3A_171 = arith.constant 0 : i32
        %dma_wait3A_172 = tpu.memref_slice %arg2[%dma_wait3A_170, %dma_wait3A_171] : memref<10000x128xf32, #tpu.memory_space<hbm>> -> memref<10000x128xf32, #tpu.memory_space<hbm>>
        tpu.wait_indirect_dma semaphore(%arg14 : memref<!tpu.dma_semaphore, #tpu.memory_space<semaphore_mem>>) src(%dma_wait3A_172 : memref<10000x128xf32, #tpu.memory_space<hbm>>) dst(%dma_wait3A_166 : memref<128x128xf32, #tpu.memory_space<vmem>>)
        %dma_start3A_173 = arith.constant 1 : i32
        %dma_start3A_174 = arith.constant 0 : i32
        %dma_start3A_175 = arith.constant 0 : i32
        %dma_start3A_176 = tpu.memref_slice %arg11[%dma_start3A_173, %dma_start3A_174, %dma_start3A_175] : memref<2x128x128xf32, #tpu.memory_space<vmem>> -> memref<1x128x128xf32, #tpu.memory_space<vmem>>
        %dma_start3A_177 = tpu.memref_squeeze %dma_start3A_176 : memref<1x128x128xf32, #tpu.memory_space<vmem>> -> memref<128x128xf32, #tpu.memory_space<vmem>>
        %dma_start3A_178 = arith.constant 0 : i32
        %dma_start3A_179 = tpu.memref_slice %arg10[%add3A_161, %dma_start3A_178] : memref<48x128xi32, #tpu.memory_space<vmem>> -> memref<1x128xi32, #tpu.memory_space<vmem>>
        %dma_start3A_180 = tpu.memref_squeeze %dma_start3A_179 : memref<1x128xi32, #tpu.memory_space<vmem>> -> memref<128xi32, #tpu.memory_space<vmem>>
        %dma_start3A_181 = arith.constant 0 : i32
        %dma_start3A_182 = arith.constant 0 : i32
        %dma_start3A_183 = tpu.memref_slice %arg12[%dma_start3A_181, %dma_start3A_182] : memref<10112x128xf32, #tpu.memory_space<vmem_shared>> -> memref<10112x128xf32, #tpu.memory_space<vmem_shared>>
        tpu.enqueue_indirect_dma source(%dma_start3A_177 : memref<128x128xf32, #tpu.memory_space<vmem>>) target(%dma_start3A_183 : memref<10112x128xf32, #tpu.memory_space<vmem_shared>>) offsets(%dma_start3A_180 : memref<128xi32, #tpu.memory_space<vmem>>) semaphore(%arg16 : memref<!tpu.dma_semaphore, #tpu.memory_space<semaphore_mem>>) {add = true}
        %mul3A_184 = arith.constant 2 : i32
        %mul3A_185 = arith.muli %scan3A_133, %mul3A_184 : i32
        %add3A_186 = arith.constant 0 : i32
        %add3A_187 = arith.addi %mul3A_185, %add3A_186 : i32
        %dma_wait3A_188 = arith.constant 0 : i32
        %dma_wait3A_189 = arith.constant 0 : i32
        %dma_wait3A_190 = arith.constant 0 : i32
        %dma_wait3A_191 = tpu.memref_slice %arg11[%dma_wait3A_188, %dma_wait3A_189, %dma_wait3A_190] : memref<2x128x128xf32, #tpu.memory_space<vmem>> -> memref<1x128x128xf32, #tpu.memory_space<vmem>>
        %dma_wait3A_192 = tpu.memref_squeeze %dma_wait3A_191 : memref<1x128x128xf32, #tpu.memory_space<vmem>> -> memref<128x128xf32, #tpu.memory_space<vmem>>
        %dma_wait3A_193 = arith.constant 0 : i32
        %dma_wait3A_194 = tpu.memref_slice %arg10[%add3A_187, %dma_wait3A_193] : memref<48x128xi32, #tpu.memory_space<vmem>> -> memref<1x128xi32, #tpu.memory_space<vmem>>
        %dma_wait3A_195 = tpu.memref_squeeze %dma_wait3A_194 : memref<1x128xi32, #tpu.memory_space<vmem>> -> memref<128xi32, #tpu.memory_space<vmem>>
        %dma_wait3A_196 = arith.constant 0 : i32
        %dma_wait3A_197 = arith.constant 0 : i32
        %dma_wait3A_198 = tpu.memref_slice %arg12[%dma_wait3A_196, %dma_wait3A_197] : memref<10112x128xf32, #tpu.memory_space<vmem_shared>> -> memref<10112x128xf32, #tpu.memory_space<vmem_shared>>
        tpu.wait_indirect_dma semaphore(%arg15 : memref<!tpu.dma_semaphore, #tpu.memory_space<semaphore_mem>>) src(%dma_wait3A_192 : memref<128x128xf32, #tpu.memory_space<vmem>>) dst(%dma_wait3A_198 : memref<10112x128xf32, #tpu.memory_space<vmem_shared>>)
        %add3A_199 = arith.constant 2 : i32
        %add3A_200 = arith.addi %add3A_187, %add3A_199 : i32
        %lt3A = arith.constant 8 : i32
        %lt3A_201 = arith.cmpi slt, %add3A_200, %lt3A : i32
        %convert_element_type3A_202 = arith.extui %lt3A_201 : i1 to i32
        %cond3A_203 = arith.constant 0 : i32
        %cond3A_204 = arith.cmpi ne, %convert_element_type3A_202, %cond3A_203 : i32
        scf.if %cond3A_204 {
          %add3A_227 = arith.constant 2 : i32
          %add3A_228 = arith.addi %add3A_187, %add3A_227 : i32
          %dma_start3A_229 = arith.constant 0 : i32
          %dma_start3A_230 = arith.constant 0 : i32
          %dma_start3A_231 = arith.constant 0 : i32
          %dma_start3A_232 = tpu.memref_slice %arg11[%dma_start3A_229, %dma_start3A_230, %dma_start3A_231] : memref<2x128x128xf32, #tpu.memory_space<vmem>> -> memref<1x128x128xf32, #tpu.memory_space<vmem>>
          %dma_start3A_233 = tpu.memref_squeeze %dma_start3A_232 : memref<1x128x128xf32, #tpu.memory_space<vmem>> -> memref<128x128xf32, #tpu.memory_space<vmem>>
          %dma_start3A_234 = arith.constant 0 : i32
          %dma_start3A_235 = tpu.memref_slice %arg9[%add3A_228, %dma_start3A_234] : memref<48x128xi32, #tpu.memory_space<vmem>> -> memref<1x128xi32, #tpu.memory_space<vmem>>
          %dma_start3A_236 = tpu.memref_squeeze %dma_start3A_235 : memref<1x128xi32, #tpu.memory_space<vmem>> -> memref<128xi32, #tpu.memory_space<vmem>>
          %dma_start3A_237 = arith.constant 0 : i32
          %dma_start3A_238 = arith.constant 0 : i32
          %dma_start3A_239 = tpu.memref_slice %arg2[%dma_start3A_237, %dma_start3A_238] : memref<10000x128xf32, #tpu.memory_space<hbm>> -> memref<10000x128xf32, #tpu.memory_space<hbm>>
          tpu.enqueue_indirect_dma source(%dma_start3A_239 : memref<10000x128xf32, #tpu.memory_space<hbm>>) target(%dma_start3A_233 : memref<128x128xf32, #tpu.memory_space<vmem>>) offsets(%dma_start3A_236 : memref<128xi32, #tpu.memory_space<vmem>>) semaphore(%arg13 : memref<!tpu.dma_semaphore, #tpu.memory_space<semaphore_mem>>)
        } else {
        }
        %mul3A_205 = arith.constant 2 : i32
        %mul3A_206 = arith.muli %scan3A_133, %mul3A_205 : i32
        %add3A_207 = arith.constant 1 : i32
        %add3A_208 = arith.addi %mul3A_206, %add3A_207 : i32
        %dma_wait3A_209 = arith.constant 1 : i32
        %dma_wait3A_210 = arith.constant 0 : i32
        %dma_wait3A_211 = arith.constant 0 : i32
        %dma_wait3A_212 = tpu.memref_slice %arg11[%dma_wait3A_209, %dma_wait3A_210, %dma_wait3A_211] : memref<2x128x128xf32, #tpu.memory_space<vmem>> -> memref<1x128x128xf32, #tpu.memory_space<vmem>>
        %dma_wait3A_213 = tpu.memref_squeeze %dma_wait3A_212 : memref<1x128x128xf32, #tpu.memory_space<vmem>> -> memref<128x128xf32, #tpu.memory_space<vmem>>
        %dma_wait3A_214 = arith.constant 0 : i32
        %dma_wait3A_215 = tpu.memref_slice %arg10[%add3A_208, %dma_wait3A_214] : memref<48x128xi32, #tpu.memory_space<vmem>> -> memref<1x128xi32, #tpu.memory_space<vmem>>
        %dma_wait3A_216 = tpu.memref_squeeze %dma_wait3A_215 : memref<1x128xi32, #tpu.memory_space<vmem>> -> memref<128xi32, #tpu.memory_space<vmem>>
        %dma_wait3A_217 = arith.constant 0 : i32
        %dma_wait3A_218 = arith.constant 0 : i32
        %dma_wait3A_219 = tpu.memref_slice %arg12[%dma_wait3A_217, %dma_wait3A_218] : memref<10112x128xf32, #tpu.memory_space<vmem_shared>> -> memref<10112x128xf32, #tpu.memory_space<vmem_shared>>
        tpu.wait_indirect_dma semaphore(%arg16 : memref<!tpu.dma_semaphore, #tpu.memory_space<semaphore_mem>>) src(%dma_wait3A_213 : memref<128x128xf32, #tpu.memory_space<vmem>>) dst(%dma_wait3A_219 : memref<10112x128xf32, #tpu.memory_space<vmem_shared>>)
        %add3A_220 = arith.constant 2 : i32
        %add3A_221 = arith.addi %add3A_208, %add3A_220 : i32
        %lt3A_222 = arith.constant 8 : i32
        %lt3A_223 = arith.cmpi slt, %add3A_221, %lt3A_222 : i32
        %convert_element_type3A_224 = arith.extui %lt3A_223 : i1 to i32
        %cond3A_225 = arith.constant 0 : i32
        %cond3A_226 = arith.cmpi ne, %convert_element_type3A_224, %cond3A_225 : i32
        scf.if %cond3A_226 {
          %add3A_227 = arith.constant 2 : i32
          %add3A_228 = arith.addi %add3A_208, %add3A_227 : i32
          %dma_start3A_229 = arith.constant 1 : i32
          %dma_start3A_230 = arith.constant 0 : i32
          %dma_start3A_231 = arith.constant 0 : i32
          %dma_start3A_232 = tpu.memref_slice %arg11[%dma_start3A_229, %dma_start3A_230, %dma_start3A_231] : memref<2x128x128xf32, #tpu.memory_space<vmem>> -> memref<1x128x128xf32, #tpu.memory_space<vmem>>
          %dma_start3A_233 = tpu.memref_squeeze %dma_start3A_232 : memref<1x128x128xf32, #tpu.memory_space<vmem>> -> memref<128x128xf32, #tpu.memory_space<vmem>>
          %dma_start3A_234 = arith.constant 0 : i32
          %dma_start3A_235 = tpu.memref_slice %arg9[%add3A_228, %dma_start3A_234] : memref<48x128xi32, #tpu.memory_space<vmem>> -> memref<1x128xi32, #tpu.memory_space<vmem>>
          %dma_start3A_236 = tpu.memref_squeeze %dma_start3A_235 : memref<1x128xi32, #tpu.memory_space<vmem>> -> memref<128xi32, #tpu.memory_space<vmem>>
          %dma_start3A_237 = arith.constant 0 : i32
          %dma_start3A_238 = arith.constant 0 : i32
          %dma_start3A_239 = tpu.memref_slice %arg2[%dma_start3A_237, %dma_start3A_238] : memref<10000x128xf32, #tpu.memory_space<hbm>> -> memref<10000x128xf32, #tpu.memory_space<hbm>>
          tpu.enqueue_indirect_dma source(%dma_start3A_239 : memref<10000x128xf32, #tpu.memory_space<hbm>>) target(%dma_start3A_233 : memref<128x128xf32, #tpu.memory_space<vmem>>) offsets(%dma_start3A_236 : memref<128xi32, #tpu.memory_space<vmem>>) semaphore(%arg14 : memref<!tpu.dma_semaphore, #tpu.memory_space<semaphore_mem>>)
        } else {
        }
      }
      %scan3A_132 = arith.constant 4 : i32
    } else {
    }
    %eq3A_5 = arith.constant 1 : i32
    %eq3A_6 = arith.cmpi eq, %arg0, %eq3A_5 : i32
    %convert_element_type3A_7 = arith.extui %eq3A_6 : i1 to i32
    %cond3A_8 = arith.constant 0 : i32
    %cond3A_9 = arith.cmpi ne, %convert_element_type3A_7, %cond3A_8 : i32
    scf.if %cond3A_9 {
      "tpu.region"() ({
        %run_scoped3A = tpu.sem_alloc : memref<!tpu.dma_semaphore, #tpu.memory_space<semaphore_mem>>
        %dma_start3A_43 = arith.constant 0 : i32
        %dma_start3A_44 = arith.constant 0 : i32
        %dma_start3A_45 = tpu.memref_slice %arg9[%dma_start3A_43, %dma_start3A_44] : memref<48x128xi32, #tpu.memory_space<vmem>> -> memref<8x128xi32, #tpu.memory_space<vmem>>
        %dma_start3A_46 = arith.constant 0 : i32
        %dma_start3A_47 = arith.constant 0 : i32
        %dma_start3A_48 = tpu.memref_slice %arg5[%arg1, %dma_start3A_46, %dma_start3A_47] : memref<16x8x128xi32, #tpu.memory_space<hbm>> -> memref<1x8x128xi32, #tpu.memory_space<hbm>>
        %dma_start3A_49 = tpu.memref_squeeze %dma_start3A_48 : memref<1x8x128xi32, #tpu.memory_space<hbm>> -> memref<8x128xi32, #tpu.memory_space<hbm>>
        %dma_start3A_50 = arith.constant 0 : i32
        %dma_start3A_51 = arith.constant 0 : i32
        %dma_start3A_52 = tpu.memref_slice %arg9[%dma_start3A_50, %dma_start3A_51] : memref<48x128xi32, #tpu.memory_space<vmem>> -> memref<8x128xi32, #tpu.memory_space<vmem>>
        %dma_start3A_53 = arith.constant 0 : i32
        %dma_start3A_54 = arith.constant 0 : i32
        %dma_start3A_55 = tpu.memref_slice %arg5[%arg1, %dma_start3A_53, %dma_start3A_54] : memref<16x8x128xi32, #tpu.memory_space<hbm>> -> memref<1x8x128xi32, #tpu.memory_space<hbm>>
        %dma_start3A_56 = tpu.memref_squeeze %dma_start3A_55 : memref<1x8x128xi32, #tpu.memory_space<hbm>> -> memref<8x128xi32, #tpu.memory_space<hbm>>
        tpu.enqueue_dma source(%dma_start3A_56 : memref<8x128xi32, #tpu.memory_space<hbm>>) target(%dma_start3A_52 : memref<8x128xi32, #tpu.memory_space<vmem>>) target_semaphore(%run_scoped3A : memref<!tpu.dma_semaphore, #tpu.memory_space<semaphore_mem>>)
        %dma_wait3A = arith.constant 0 : i32
        %dma_wait3A_57 = arith.constant 0 : i32
        %dma_wait3A_58 = tpu.memref_slice %arg9[%dma_wait3A, %dma_wait3A_57] : memref<48x128xi32, #tpu.memory_space<vmem>> -> memref<8x128xi32, #tpu.memory_space<vmem>>
        %dma_wait3A_59 = arith.constant 0 : i32
        %dma_wait3A_60 = arith.constant 0 : i32
        %dma_wait3A_61 = tpu.memref_slice %arg5[%arg1, %dma_wait3A_59, %dma_wait3A_60] : memref<16x8x128xi32, #tpu.memory_space<hbm>> -> memref<1x8x128xi32, #tpu.memory_space<hbm>>
        %dma_wait3A_62 = tpu.memref_squeeze %dma_wait3A_61 : memref<1x8x128xi32, #tpu.memory_space<hbm>> -> memref<8x128xi32, #tpu.memory_space<hbm>>
        %dma_wait3A_63 = arith.constant 0 : i32
        %dma_wait3A_64 = arith.constant 0 : i32
        %dma_wait3A_65 = tpu.memref_slice %arg9[%dma_wait3A_63, %dma_wait3A_64] : memref<48x128xi32, #tpu.memory_space<vmem>> -> memref<8x128xi32, #tpu.memory_space<vmem>>
        %dma_wait3A_66 = arith.constant 0 : i32
        %dma_wait3A_67 = arith.constant 0 : i32
        %dma_wait3A_68 = tpu.memref_slice %arg5[%arg1, %dma_wait3A_66, %dma_wait3A_67] : memref<16x8x128xi32, #tpu.memory_space<hbm>> -> memref<1x8x128xi32, #tpu.memory_space<hbm>>
        %dma_wait3A_69 = tpu.memref_squeeze %dma_wait3A_68 : memref<1x8x128xi32, #tpu.memory_space<hbm>> -> memref<8x128xi32, #tpu.memory_space<hbm>>
        tpu.wait_dma2 semaphore(%run_scoped3A : memref<!tpu.dma_semaphore, #tpu.memory_space<semaphore_mem>>) src(%dma_wait3A_69 : memref<8x128xi32, #tpu.memory_space<hbm>>) dst(%dma_wait3A_65 : memref<8x128xi32, #tpu.memory_space<vmem>>)
        tpu.yield
      }) : () -> ()
      "tpu.region"() ({
        %run_scoped3A = tpu.sem_alloc : memref<!tpu.dma_semaphore, #tpu.memory_space<semaphore_mem>>
        %dma_start3A_43 = arith.constant 0 : i32
        %dma_start3A_44 = arith.constant 0 : i32
        %dma_start3A_45 = tpu.memref_slice %arg10[%dma_start3A_43, %dma_start3A_44] : memref<48x128xi32, #tpu.memory_space<vmem>> -> memref<8x128xi32, #tpu.memory_space<vmem>>
        %dma_start3A_46 = arith.constant 0 : i32
        %dma_start3A_47 = arith.constant 0 : i32
        %dma_start3A_48 = tpu.memref_slice %arg6[%arg1, %dma_start3A_46, %dma_start3A_47] : memref<16x8x128xi32, #tpu.memory_space<hbm>> -> memref<1x8x128xi32, #tpu.memory_space<hbm>>
        %dma_start3A_49 = tpu.memref_squeeze %dma_start3A_48 : memref<1x8x128xi32, #tpu.memory_space<hbm>> -> memref<8x128xi32, #tpu.memory_space<hbm>>
        %dma_start3A_50 = arith.constant 0 : i32
        %dma_start3A_51 = arith.constant 0 : i32
        %dma_start3A_52 = tpu.memref_slice %arg10[%dma_start3A_50, %dma_start3A_51] : memref<48x128xi32, #tpu.memory_space<vmem>> -> memref<8x128xi32, #tpu.memory_space<vmem>>
        %dma_start3A_53 = arith.constant 0 : i32
        %dma_start3A_54 = arith.constant 0 : i32
        %dma_start3A_55 = tpu.memref_slice %arg6[%arg1, %dma_start3A_53, %dma_start3A_54] : memref<16x8x128xi32, #tpu.memory_space<hbm>> -> memref<1x8x128xi32, #tpu.memory_space<hbm>>
        %dma_start3A_56 = tpu.memref_squeeze %dma_start3A_55 : memref<1x8x128xi32, #tpu.memory_space<hbm>> -> memref<8x128xi32, #tpu.memory_space<hbm>>
        tpu.enqueue_dma source(%dma_start3A_56 : memref<8x128xi32, #tpu.memory_space<hbm>>) target(%dma_start3A_52 : memref<8x128xi32, #tpu.memory_space<vmem>>) target_semaphore(%run_scoped3A : memref<!tpu.dma_semaphore, #tpu.memory_space<semaphore_mem>>)
        %dma_wait3A = arith.constant 0 : i32
        %dma_wait3A_57 = arith.constant 0 : i32
        %dma_wait3A_58 = tpu.memref_slice %arg10[%dma_wait3A, %dma_wait3A_57] : memref<48x128xi32, #tpu.memory_space<vmem>> -> memref<8x128xi32, #tpu.memory_space<vmem>>
        %dma_wait3A_59 = arith.constant 0 : i32
        %dma_wait3A_60 = arith.constant 0 : i32
        %dma_wait3A_61 = tpu.memref_slice %arg6[%arg1, %dma_wait3A_59, %dma_wait3A_60] : memref<16x8x128xi32, #tpu.memory_space<hbm>> -> memref<1x8x128xi32, #tpu.memory_space<hbm>>
        %dma_wait3A_62 = tpu.memref_squeeze %dma_wait3A_61 : memref<1x8x128xi32, #tpu.memory_space<hbm>> -> memref<8x128xi32, #tpu.memory_space<hbm>>
        %dma_wait3A_63 = arith.constant 0 : i32
        %dma_wait3A_64 = arith.constant 0 : i32
        %dma_wait3A_65 = tpu.memref_slice %arg10[%dma_wait3A_63, %dma_wait3A_64] : memref<48x128xi32, #tpu.memory_space<vmem>> -> memref<8x128xi32, #tpu.memory_space<vmem>>
        %dma_wait3A_66 = arith.constant 0 : i32
        %dma_wait3A_67 = arith.constant 0 : i32
        %dma_wait3A_68 = tpu.memref_slice %arg6[%arg1, %dma_wait3A_66, %dma_wait3A_67] : memref<16x8x128xi32, #tpu.memory_space<hbm>> -> memref<1x8x128xi32, #tpu.memory_space<hbm>>
        %dma_wait3A_69 = tpu.memref_squeeze %dma_wait3A_68 : memref<1x8x128xi32, #tpu.memory_space<hbm>> -> memref<8x128xi32, #tpu.memory_space<hbm>>
        tpu.wait_dma2 semaphore(%run_scoped3A : memref<!tpu.dma_semaphore, #tpu.memory_space<semaphore_mem>>) src(%dma_wait3A_69 : memref<8x128xi32, #tpu.memory_space<hbm>>) dst(%dma_wait3A_65 : memref<8x128xi32, #tpu.memory_space<vmem>>)
        tpu.yield
      }) : () -> ()
      %dma_start3A = arith.constant 0 : i32
      %dma_start3A_15 = arith.constant 0 : i32
      %dma_start3A_16 = arith.constant 0 : i32
      %dma_start3A_17 = arith.constant 0 : i32
      %dma_start3A_18 = tpu.memref_slice %arg11[%dma_start3A_15, %dma_start3A_16, %dma_start3A_17] : memref<2x128x128xf32, #tpu.memory_space<vmem>> -> memref<1x128x128xf32, #tpu.memory_space<vmem>>
      %dma_start3A_19 = tpu.memref_squeeze %dma_start3A_18 : memref<1x128x128xf32, #tpu.memory_space<vmem>> -> memref<128x128xf32, #tpu.memory_space<vmem>>
      %dma_start3A_20 = arith.constant 0 : i32
      %dma_start3A_21 = tpu.memref_slice %arg9[%dma_start3A, %dma_start3A_20] : memref<48x128xi32, #tpu.memory_space<vmem>> -> memref<1x128xi32, #tpu.memory_space<vmem>>
      %dma_start3A_22 = tpu.memref_squeeze %dma_start3A_21 : memref<1x128xi32, #tpu.memory_space<vmem>> -> memref<128xi32, #tpu.memory_space<vmem>>
      %dma_start3A_23 = arith.constant 0 : i32
      %dma_start3A_24 = arith.constant 0 : i32
      %dma_start3A_25 = tpu.memref_slice %arg2[%dma_start3A_23, %dma_start3A_24] : memref<10000x128xf32, #tpu.memory_space<hbm>> -> memref<10000x128xf32, #tpu.memory_space<hbm>>
      tpu.enqueue_indirect_dma source(%dma_start3A_25 : memref<10000x128xf32, #tpu.memory_space<hbm>>) target(%dma_start3A_19 : memref<128x128xf32, #tpu.memory_space<vmem>>) offsets(%dma_start3A_22 : memref<128xi32, #tpu.memory_space<vmem>>) semaphore(%arg13 : memref<!tpu.dma_semaphore, #tpu.memory_space<semaphore_mem>>)
      %dma_start3A_26 = arith.constant 1 : i32
      %dma_start3A_27 = arith.constant 1 : i32
      %dma_start3A_28 = arith.constant 0 : i32
      %dma_start3A_29 = arith.constant 0 : i32
      %dma_start3A_30 = tpu.memref_slice %arg11[%dma_start3A_27, %dma_start3A_28, %dma_start3A_29] : memref<2x128x128xf32, #tpu.memory_space<vmem>> -> memref<1x128x128xf32, #tpu.memory_space<vmem>>
      %dma_start3A_31 = tpu.memref_squeeze %dma_start3A_30 : memref<1x128x128xf32, #tpu.memory_space<vmem>> -> memref<128x128xf32, #tpu.memory_space<vmem>>
      %dma_start3A_32 = arith.constant 0 : i32
      %dma_start3A_33 = tpu.memref_slice %arg9[%dma_start3A_26, %dma_start3A_32] : memref<48x128xi32, #tpu.memory_space<vmem>> -> memref<1x128xi32, #tpu.memory_space<vmem>>
      %dma_start3A_34 = tpu.memref_squeeze %dma_start3A_33 : memref<1x128xi32, #tpu.memory_space<vmem>> -> memref<128xi32, #tpu.memory_space<vmem>>
      %dma_start3A_35 = arith.constant 0 : i32
      %dma_start3A_36 = arith.constant 0 : i32
      %dma_start3A_37 = tpu.memref_slice %arg2[%dma_start3A_35, %dma_start3A_36] : memref<10000x128xf32, #tpu.memory_space<hbm>> -> memref<10000x128xf32, #tpu.memory_space<hbm>>
      tpu.enqueue_indirect_dma source(%dma_start3A_37 : memref<10000x128xf32, #tpu.memory_space<hbm>>) target(%dma_start3A_31 : memref<128x128xf32, #tpu.memory_space<vmem>>) offsets(%dma_start3A_34 : memref<128xi32, #tpu.memory_space<vmem>>) semaphore(%arg14 : memref<!tpu.dma_semaphore, #tpu.memory_space<semaphore_mem>>)
      %scan3A = arith.constant 0 : i32
      %scan3A_38 = arith.constant 0 : i32
      %scan3A_39 = arith.constant 4 : i32
      %scan3A_40 = arith.addi %scan3A_38, %scan3A_39 : i32
      %scan3A_41 = arith.constant 1 : i32
      scf.for %scan3A_43 = %scan3A_38 to %scan3A_40 step %scan3A_41  : i32 {
        %mul3A_44 = arith.constant 2 : i32
        %mul3A_45 = arith.muli %scan3A_43, %mul3A_44 : i32
        %add3A = arith.constant 0 : i32
        %add3A_46 = arith.addi %mul3A_45, %add3A : i32
        %dma_wait3A = arith.constant 0 : i32
        %dma_wait3A_47 = arith.constant 0 : i32
        %dma_wait3A_48 = arith.constant 0 : i32
        %dma_wait3A_49 = tpu.memref_slice %arg11[%dma_wait3A, %dma_wait3A_47, %dma_wait3A_48] : memref<2x128x128xf32, #tpu.memory_space<vmem>> -> memref<1x128x128xf32, #tpu.memory_space<vmem>>
        %dma_wait3A_50 = tpu.memref_squeeze %dma_wait3A_49 : memref<1x128x128xf32, #tpu.memory_space<vmem>> -> memref<128x128xf32, #tpu.memory_space<vmem>>
        %dma_wait3A_51 = arith.constant 0 : i32
        %dma_wait3A_52 = tpu.memref_slice %arg9[%add3A_46, %dma_wait3A_51] : memref<48x128xi32, #tpu.memory_space<vmem>> -> memref<1x128xi32, #tpu.memory_space<vmem>>
        %dma_wait3A_53 = tpu.memref_squeeze %dma_wait3A_52 : memref<1x128xi32, #tpu.memory_space<vmem>> -> memref<128xi32, #tpu.memory_space<vmem>>
        %dma_wait3A_54 = arith.constant 0 : i32
        %dma_wait3A_55 = arith.constant 0 : i32
        %dma_wait3A_56 = tpu.memref_slice %arg2[%dma_wait3A_54, %dma_wait3A_55] : memref<10000x128xf32, #tpu.memory_space<hbm>> -> memref<10000x128xf32, #tpu.memory_space<hbm>>
        tpu.wait_indirect_dma semaphore(%arg13 : memref<!tpu.dma_semaphore, #tpu.memory_space<semaphore_mem>>) src(%dma_wait3A_56 : memref<10000x128xf32, #tpu.memory_space<hbm>>) dst(%dma_wait3A_50 : memref<128x128xf32, #tpu.memory_space<vmem>>)
        %dma_start3A_57 = arith.constant 0 : i32
        %dma_start3A_58 = arith.constant 0 : i32
        %dma_start3A_59 = arith.constant 0 : i32
        %dma_start3A_60 = tpu.memref_slice %arg11[%dma_start3A_57, %dma_start3A_58, %dma_start3A_59] : memref<2x128x128xf32, #tpu.memory_space<vmem>> -> memref<1x128x128xf32, #tpu.memory_space<vmem>>
        %dma_start3A_61 = tpu.memref_squeeze %dma_start3A_60 : memref<1x128x128xf32, #tpu.memory_space<vmem>> -> memref<128x128xf32, #tpu.memory_space<vmem>>
        %dma_start3A_62 = arith.constant 0 : i32
        %dma_start3A_63 = tpu.memref_slice %arg10[%add3A_46, %dma_start3A_62] : memref<48x128xi32, #tpu.memory_space<vmem>> -> memref<1x128xi32, #tpu.memory_space<vmem>>
        %dma_start3A_64 = tpu.memref_squeeze %dma_start3A_63 : memref<1x128xi32, #tpu.memory_space<vmem>> -> memref<128xi32, #tpu.memory_space<vmem>>
        %dma_start3A_65 = arith.constant 0 : i32
        %dma_start3A_66 = arith.constant 0 : i32
        %dma_start3A_67 = tpu.memref_slice %arg12[%dma_start3A_65, %dma_start3A_66] : memref<10112x128xf32, #tpu.memory_space<vmem_shared>> -> memref<10112x128xf32, #tpu.memory_space<vmem_shared>>
        tpu.enqueue_indirect_dma source(%dma_start3A_61 : memref<128x128xf32, #tpu.memory_space<vmem>>) target(%dma_start3A_67 : memref<10112x128xf32, #tpu.memory_space<vmem_shared>>) offsets(%dma_start3A_64 : memref<128xi32, #tpu.memory_space<vmem>>) semaphore(%arg15 : memref<!tpu.dma_semaphore, #tpu.memory_space<semaphore_mem>>) {add = true}
        %mul3A_68 = arith.constant 2 : i32
        %mul3A_69 = arith.muli %scan3A_43, %mul3A_68 : i32
        %add3A_70 = arith.constant 1 : i32
        %add3A_71 = arith.addi %mul3A_69, %add3A_70 : i32
        %dma_wait3A_72 = arith.constant 1 : i32
        %dma_wait3A_73 = arith.constant 0 : i32
        %dma_wait3A_74 = arith.constant 0 : i32
        %dma_wait3A_75 = tpu.memref_slice %arg11[%dma_wait3A_72, %dma_wait3A_73, %dma_wait3A_74] : memref<2x128x128xf32, #tpu.memory_space<vmem>> -> memref<1x128x128xf32, #tpu.memory_space<vmem>>
        %dma_wait3A_76 = tpu.memref_squeeze %dma_wait3A_75 : memref<1x128x128xf32, #tpu.memory_space<vmem>> -> memref<128x128xf32, #tpu.memory_space<vmem>>
        %dma_wait3A_77 = arith.constant 0 : i32
        %dma_wait3A_78 = tpu.memref_slice %arg9[%add3A_71, %dma_wait3A_77] : memref<48x128xi32, #tpu.memory_space<vmem>> -> memref<1x128xi32, #tpu.memory_space<vmem>>
        %dma_wait3A_79 = tpu.memref_squeeze %dma_wait3A_78 : memref<1x128xi32, #tpu.memory_space<vmem>> -> memref<128xi32, #tpu.memory_space<vmem>>
        %dma_wait3A_80 = arith.constant 0 : i32
        %dma_wait3A_81 = arith.constant 0 : i32
        %dma_wait3A_82 = tpu.memref_slice %arg2[%dma_wait3A_80, %dma_wait3A_81] : memref<10000x128xf32, #tpu.memory_space<hbm>> -> memref<10000x128xf32, #tpu.memory_space<hbm>>
        tpu.wait_indirect_dma semaphore(%arg14 : memref<!tpu.dma_semaphore, #tpu.memory_space<semaphore_mem>>) src(%dma_wait3A_82 : memref<10000x128xf32, #tpu.memory_space<hbm>>) dst(%dma_wait3A_76 : memref<128x128xf32, #tpu.memory_space<vmem>>)
        %dma_start3A_83 = arith.constant 1 : i32
        %dma_start3A_84 = arith.constant 0 : i32
        %dma_start3A_85 = arith.constant 0 : i32
        %dma_start3A_86 = tpu.memref_slice %arg11[%dma_start3A_83, %dma_start3A_84, %dma_start3A_85] : memref<2x128x128xf32, #tpu.memory_space<vmem>> -> memref<1x128x128xf32, #tpu.memory_space<vmem>>
        %dma_start3A_87 = tpu.memref_squeeze %dma_start3A_86 : memref<1x128x128xf32, #tpu.memory_space<vmem>> -> memref<128x128xf32, #tpu.memory_space<vmem>>
        %dma_start3A_88 = arith.constant 0 : i32
        %dma_start3A_89 = tpu.memref_slice %arg10[%add3A_71, %dma_start3A_88] : memref<48x128xi32, #tpu.memory_space<vmem>> -> memref<1x128xi32, #tpu.memory_space<vmem>>
        %dma_start3A_90 = tpu.memref_squeeze %dma_start3A_89 : memref<1x128xi32, #tpu.memory_space<vmem>> -> memref<128xi32, #tpu.memory_space<vmem>>
        %dma_start3A_91 = arith.constant 0 : i32
        %dma_start3A_92 = arith.constant 0 : i32
        %dma_start3A_93 = tpu.memref_slice %arg12[%dma_start3A_91, %dma_start3A_92] : memref<10112x128xf32, #tpu.memory_space<vmem_shared>> -> memref<10112x128xf32, #tpu.memory_space<vmem_shared>>
        tpu.enqueue_indirect_dma source(%dma_start3A_87 : memref<128x128xf32, #tpu.memory_space<vmem>>) target(%dma_start3A_93 : memref<10112x128xf32, #tpu.memory_space<vmem_shared>>) offsets(%dma_start3A_90 : memref<128xi32, #tpu.memory_space<vmem>>) semaphore(%arg16 : memref<!tpu.dma_semaphore, #tpu.memory_space<semaphore_mem>>) {add = true}
        %mul3A_94 = arith.constant 2 : i32
        %mul3A_95 = arith.muli %scan3A_43, %mul3A_94 : i32
        %add3A_96 = arith.constant 0 : i32
        %add3A_97 = arith.addi %mul3A_95, %add3A_96 : i32
        %dma_wait3A_98 = arith.constant 0 : i32
        %dma_wait3A_99 = arith.constant 0 : i32
        %dma_wait3A_100 = arith.constant 0 : i32
        %dma_wait3A_101 = tpu.memref_slice %arg11[%dma_wait3A_98, %dma_wait3A_99, %dma_wait3A_100] : memref<2x128x128xf32, #tpu.memory_space<vmem>> -> memref<1x128x128xf32, #tpu.memory_space<vmem>>
        %dma_wait3A_102 = tpu.memref_squeeze %dma_wait3A_101 : memref<1x128x128xf32, #tpu.memory_space<vmem>> -> memref<128x128xf32, #tpu.memory_space<vmem>>
        %dma_wait3A_103 = arith.constant 0 : i32
        %dma_wait3A_104 = tpu.memref_slice %arg10[%add3A_97, %dma_wait3A_103] : memref<48x128xi32, #tpu.memory_space<vmem>> -> memref<1x128xi32, #tpu.memory_space<vmem>>
        %dma_wait3A_105 = tpu.memref_squeeze %dma_wait3A_104 : memref<1x128xi32, #tpu.memory_space<vmem>> -> memref<128xi32, #tpu.memory_space<vmem>>
        %dma_wait3A_106 = arith.constant 0 : i32
        %dma_wait3A_107 = arith.constant 0 : i32
        %dma_wait3A_108 = tpu.memref_slice %arg12[%dma_wait3A_106, %dma_wait3A_107] : memref<10112x128xf32, #tpu.memory_space<vmem_shared>> -> memref<10112x128xf32, #tpu.memory_space<vmem_shared>>
        tpu.wait_indirect_dma semaphore(%arg15 : memref<!tpu.dma_semaphore, #tpu.memory_space<semaphore_mem>>) src(%dma_wait3A_102 : memref<128x128xf32, #tpu.memory_space<vmem>>) dst(%dma_wait3A_108 : memref<10112x128xf32, #tpu.memory_space<vmem_shared>>)
        %add3A_109 = arith.constant 2 : i32
        %add3A_110 = arith.addi %add3A_97, %add3A_109 : i32
        %lt3A = arith.constant 8 : i32
        %lt3A_111 = arith.cmpi slt, %add3A_110, %lt3A : i32
        %convert_element_type3A_112 = arith.extui %lt3A_111 : i1 to i32
        %cond3A_113 = arith.constant 0 : i32
        %cond3A_114 = arith.cmpi ne, %convert_element_type3A_112, %cond3A_113 : i32
        scf.if %cond3A_114 {
          %add3A_137 = arith.constant 2 : i32
          %add3A_138 = arith.addi %add3A_97, %add3A_137 : i32
          %dma_start3A_139 = arith.constant 0 : i32
          %dma_start3A_140 = arith.constant 0 : i32
          %dma_start3A_141 = arith.constant 0 : i32
          %dma_start3A_142 = tpu.memref_slice %arg11[%dma_start3A_139, %dma_start3A_140, %dma_start3A_141] : memref<2x128x128xf32, #tpu.memory_space<vmem>> -> memref<1x128x128xf32, #tpu.memory_space<vmem>>
          %dma_start3A_143 = tpu.memref_squeeze %dma_start3A_142 : memref<1x128x128xf32, #tpu.memory_space<vmem>> -> memref<128x128xf32, #tpu.memory_space<vmem>>
          %dma_start3A_144 = arith.constant 0 : i32
          %dma_start3A_145 = tpu.memref_slice %arg9[%add3A_138, %dma_start3A_144] : memref<48x128xi32, #tpu.memory_space<vmem>> -> memref<1x128xi32, #tpu.memory_space<vmem>>
          %dma_start3A_146 = tpu.memref_squeeze %dma_start3A_145 : memref<1x128xi32, #tpu.memory_space<vmem>> -> memref<128xi32, #tpu.memory_space<vmem>>
          %dma_start3A_147 = arith.constant 0 : i32
          %dma_start3A_148 = arith.constant 0 : i32
          %dma_start3A_149 = tpu.memref_slice %arg2[%dma_start3A_147, %dma_start3A_148] : memref<10000x128xf32, #tpu.memory_space<hbm>> -> memref<10000x128xf32, #tpu.memory_space<hbm>>
          tpu.enqueue_indirect_dma source(%dma_start3A_149 : memref<10000x128xf32, #tpu.memory_space<hbm>>) target(%dma_start3A_143 : memref<128x128xf32, #tpu.memory_space<vmem>>) offsets(%dma_start3A_146 : memref<128xi32, #tpu.memory_space<vmem>>) semaphore(%arg13 : memref<!tpu.dma_semaphore, #tpu.memory_space<semaphore_mem>>)
        } else {
        }
        %mul3A_115 = arith.constant 2 : i32
        %mul3A_116 = arith.muli %scan3A_43, %mul3A_115 : i32
        %add3A_117 = arith.constant 1 : i32
        %add3A_118 = arith.addi %mul3A_116, %add3A_117 : i32
        %dma_wait3A_119 = arith.constant 1 : i32
        %dma_wait3A_120 = arith.constant 0 : i32
        %dma_wait3A_121 = arith.constant 0 : i32
        %dma_wait3A_122 = tpu.memref_slice %arg11[%dma_wait3A_119, %dma_wait3A_120, %dma_wait3A_121] : memref<2x128x128xf32, #tpu.memory_space<vmem>> -> memref<1x128x128xf32, #tpu.memory_space<vmem>>
        %dma_wait3A_123 = tpu.memref_squeeze %dma_wait3A_122 : memref<1x128x128xf32, #tpu.memory_space<vmem>> -> memref<128x128xf32, #tpu.memory_space<vmem>>
        %dma_wait3A_124 = arith.constant 0 : i32
        %dma_wait3A_125 = tpu.memref_slice %arg10[%add3A_118, %dma_wait3A_124] : memref<48x128xi32, #tpu.memory_space<vmem>> -> memref<1x128xi32, #tpu.memory_space<vmem>>
        %dma_wait3A_126 = tpu.memref_squeeze %dma_wait3A_125 : memref<1x128xi32, #tpu.memory_space<vmem>> -> memref<128xi32, #tpu.memory_space<vmem>>
        %dma_wait3A_127 = arith.constant 0 : i32
        %dma_wait3A_128 = arith.constant 0 : i32
        %dma_wait3A_129 = tpu.memref_slice %arg12[%dma_wait3A_127, %dma_wait3A_128] : memref<10112x128xf32, #tpu.memory_space<vmem_shared>> -> memref<10112x128xf32, #tpu.memory_space<vmem_shared>>
        tpu.wait_indirect_dma semaphore(%arg16 : memref<!tpu.dma_semaphore, #tpu.memory_space<semaphore_mem>>) src(%dma_wait3A_123 : memref<128x128xf32, #tpu.memory_space<vmem>>) dst(%dma_wait3A_129 : memref<10112x128xf32, #tpu.memory_space<vmem_shared>>)
        %add3A_130 = arith.constant 2 : i32
        %add3A_131 = arith.addi %add3A_118, %add3A_130 : i32
        %lt3A_132 = arith.constant 8 : i32
        %lt3A_133 = arith.cmpi slt, %add3A_131, %lt3A_132 : i32
        %convert_element_type3A_134 = arith.extui %lt3A_133 : i1 to i32
        %cond3A_135 = arith.constant 0 : i32
        %cond3A_136 = arith.cmpi ne, %convert_element_type3A_134, %cond3A_135 : i32
        scf.if %cond3A_136 {
          %add3A_137 = arith.constant 2 : i32
          %add3A_138 = arith.addi %add3A_118, %add3A_137 : i32
          %dma_start3A_139 = arith.constant 1 : i32
          %dma_start3A_140 = arith.constant 0 : i32
          %dma_start3A_141 = arith.constant 0 : i32
          %dma_start3A_142 = tpu.memref_slice %arg11[%dma_start3A_139, %dma_start3A_140, %dma_start3A_141] : memref<2x128x128xf32, #tpu.memory_space<vmem>> -> memref<1x128x128xf32, #tpu.memory_space<vmem>>
          %dma_start3A_143 = tpu.memref_squeeze %dma_start3A_142 : memref<1x128x128xf32, #tpu.memory_space<vmem>> -> memref<128x128xf32, #tpu.memory_space<vmem>>
          %dma_start3A_144 = arith.constant 0 : i32
          %dma_start3A_145 = tpu.memref_slice %arg9[%add3A_138, %dma_start3A_144] : memref<48x128xi32, #tpu.memory_space<vmem>> -> memref<1x128xi32, #tpu.memory_space<vmem>>
          %dma_start3A_146 = tpu.memref_squeeze %dma_start3A_145 : memref<1x128xi32, #tpu.memory_space<vmem>> -> memref<128xi32, #tpu.memory_space<vmem>>
          %dma_start3A_147 = arith.constant 0 : i32
          %dma_start3A_148 = arith.constant 0 : i32
          %dma_start3A_149 = tpu.memref_slice %arg2[%dma_start3A_147, %dma_start3A_148] : memref<10000x128xf32, #tpu.memory_space<hbm>> -> memref<10000x128xf32, #tpu.memory_space<hbm>>
          tpu.enqueue_indirect_dma source(%dma_start3A_149 : memref<10000x128xf32, #tpu.memory_space<hbm>>) target(%dma_start3A_143 : memref<128x128xf32, #tpu.memory_space<vmem>>) offsets(%dma_start3A_146 : memref<128xi32, #tpu.memory_space<vmem>>) semaphore(%arg14 : memref<!tpu.dma_semaphore, #tpu.memory_space<semaphore_mem>>)
        } else {
        }
      }
      %scan3A_42 = arith.constant 4 : i32
    } else {
    }
    %barrier3A_10 = arith.constant 0 : index
    tpu.barrier barrier_id(%barrier3A_10)
    "tpu.trace_stop"() : () -> ()
    "tpu.trace_start"() <{level = 10 : i32, message = "acc_copyout"}> : () -> ()
    %mul3A_11 = arith.constant 632 : i32
    %mul3A_12 = arith.muli %arg1, %mul3A_11 : i32
    %mul3A_13 = arith.constant 632 : i32
    %mul3A_14 = arith.muli %arg1, %mul3A_13 : i32
    "tpu.region"() ({
      %run_scoped3A = tpu.sem_alloc : memref<!tpu.dma_semaphore, #tpu.memory_space<semaphore_mem>>
      %dma_start3A = arith.constant 0 : i32
      %dma_start3A_15 = tpu.memref_slice %arg8[%arg0, %mul3A_14, %dma_start3A] : memref<2x10112x128xf32, #tpu.memory_space<hbm>> -> memref<1x632x128xf32, #tpu.memory_space<hbm>>
      %dma_start3A_16 = tpu.memref_squeeze %dma_start3A_15 : memref<1x632x128xf32, #tpu.memory_space<hbm>> -> memref<632x128xf32, #tpu.memory_space<hbm>>
      %dma_start3A_17 = arith.constant 0 : i32
      %dma_start3A_18 = tpu.memref_slice %arg12[%mul3A_12, %dma_start3A_17] : memref<10112x128xf32, #tpu.memory_space<vmem_shared>> -> memref<632x128xf32, #tpu.memory_space<vmem_shared>>
      tpu.enqueue_dma source(%dma_start3A_18 : memref<632x128xf32, #tpu.memory_space<vmem_shared>>) target(%dma_start3A_16 : memref<632x128xf32, #tpu.memory_space<hbm>>) target_semaphore(%run_scoped3A : memref<!tpu.dma_semaphore, #tpu.memory_space<semaphore_mem>>)
      %dma_wait3A = arith.constant 0 : i32
      %dma_wait3A_19 = tpu.memref_slice %arg8[%arg0, %mul3A_14, %dma_wait3A] : memref<2x10112x128xf32, #tpu.memory_space<hbm>> -> memref<1x632x128xf32, #tpu.memory_space<hbm>>
      %dma_wait3A_20 = tpu.memref_squeeze %dma_wait3A_19 : memref<1x632x128xf32, #tpu.memory_space<hbm>> -> memref<632x128xf32, #tpu.memory_space<hbm>>
      %dma_wait3A_21 = arith.constant 0 : i32
      %dma_wait3A_22 = tpu.memref_slice %arg12[%mul3A_12, %dma_wait3A_21] : memref<10112x128xf32, #tpu.memory_space<vmem_shared>> -> memref<632x128xf32, #tpu.memory_space<vmem_shared>>
      tpu.wait_dma2 semaphore(%run_scoped3A : memref<!tpu.dma_semaphore, #tpu.memory_space<semaphore_mem>>) src(%dma_wait3A_22 : memref<632x128xf32, #tpu.memory_space<vmem_shared>>) dst(%dma_wait3A_20 : memref<632x128xf32, #tpu.memory_space<hbm>>)
      tpu.yield
    }) : () -> ()
    "tpu.trace_stop"() : () -> ()
    return
  }
}

module attributes {stable_mosaic.version = 14 : i64} {
  func.func @_node_body(%arg0: i32, %arg1: memref<1000x128xf32, #tpu.memory_space<vmem>>, %arg2: memref<512x128xf32, #tpu.memory_space<vmem>>, %arg3: memref<512x128xf32, #tpu.memory_space<vmem>>, %arg4: memref<1000x128xf32, #tpu.memory_space<vmem>>, %arg5: memref<1000x128xf32, #tpu.memory_space<vmem>>) attributes {dimension_semantics = [#tpu.dimension_semantics<arbitrary>], iteration_bounds = array<i64: 10>, scalar_prefetch = 0 : i64, scratch_operands = 0 : i64, tpu.core_type = #tpu.core_type<tc>, window_params = [{transform_indices = @transform_0, window_bounds = array<i64: 1000, 128>}, {pipeline_mode = #tpu.pipeline_mode<synchronous>, transform_indices = @transform_1, window_bounds = array<i64: 512, 128>}, {pipeline_mode = #tpu.pipeline_mode<synchronous>, transform_indices = @transform_2, window_bounds = array<i64: 512, 128>}, {transform_indices = @transform_3, window_bounds = array<i64: 1000, 128>}, {transform_indices = @transform_4, window_bounds = array<i64: 1000, 128>}]} {
    %get3A = arith.constant 0 : index
    %get3A_0 = arith.constant 0 : index
    %get3A_1 = vector.load %arg1[%get3A, %get3A_0] : memref<1000x128xf32, #tpu.memory_space<vmem>>, vector<1000x128xf32>
    %cos3A = math.cos %get3A_1 : vector<1000x128xf32>
    %mul3A = arith.constant 2.000000e+00 : f32
    %mul3A_2 = vector.broadcast %mul3A : f32 to vector<1000x128xf32>
    %mul3A_3 = arith.mulf %mul3A_2, %get3A_1 : vector<1000x128xf32>
    %cos3A_4 = math.cos %mul3A_3 : vector<1000x128xf32>
    %sin3A = math.sin %get3A_1 : vector<1000x128xf32>
    %mul3A_5 = arith.constant 2.000000e+00 : f32
    %mul3A_6 = vector.broadcast %mul3A_5 : f32 to vector<1000x128xf32>
    %mul3A_7 = arith.mulf %mul3A_6, %get3A_1 : vector<1000x128xf32>
    %sin3A_8 = math.sin %mul3A_7 : vector<1000x128xf32>
    %concatenate3A = tpu.concatenate %cos3A, %cos3A_4, %sin3A, %sin3A_8 in 1 : vector<1000x128xf32>, vector<1000x128xf32>, vector<1000x128xf32>, vector<1000x128xf32> -> vector<1000x512xf32>
    %get3A_9 = arith.constant 0 : index
    %get3A_10 = arith.constant 0 : index
    %get3A_11 = vector.load %arg2[%get3A_9, %get3A_10] : memref<512x128xf32, #tpu.memory_space<vmem>>, vector<512x128xf32>
    %dot_general3A = arith.constant dense<0.000000e+00> : vector<1000x128xf32>
    %dot_general3A_12 = tpu.matmul %concatenate3A, %get3A_11, %dot_general3A {dimension_numbers = #tpu.dot_dimension_numbers<[1], [0], [0], [1], [0, 0, 1, 1], [], []>, transpose_lhs_hint = false} : vector<1000x512xf32>, vector<512x128xf32>, vector<1000x128xf32> -> vector<1000x128xf32>
    %swap3A = arith.constant 0 : index
    %swap3A_13 = arith.constant 0 : index
    %swap3A_14 = vector.load %arg4[%swap3A, %swap3A_13] : memref<1000x128xf32, #tpu.memory_space<vmem>>, vector<1000x128xf32>
    tpu.vector_store %arg4[%swap3A, %swap3A_13], %dot_general3A_12 {strides = array<i32>} : memref<1000x128xf32, #tpu.memory_space<vmem>>, vector<1000x128xf32>,
    %cos3A_15 = math.cos %dot_general3A_12 : vector<1000x128xf32>
    %mul3A_16 = arith.constant 2.000000e+00 : f32
    %mul3A_17 = vector.broadcast %mul3A_16 : f32 to vector<1000x128xf32>
    %mul3A_18 = arith.mulf %mul3A_17, %dot_general3A_12 : vector<1000x128xf32>
    %cos3A_19 = math.cos %mul3A_18 : vector<1000x128xf32>
    %sin3A_20 = math.sin %dot_general3A_12 : vector<1000x128xf32>
    %mul3A_21 = arith.constant 2.000000e+00 : f32
    %mul3A_22 = vector.broadcast %mul3A_21 : f32 to vector<1000x128xf32>
    %mul3A_23 = arith.mulf %mul3A_22, %dot_general3A_12 : vector<1000x128xf32>
    %sin3A_24 = math.sin %mul3A_23 : vector<1000x128xf32>
    %concatenate3A_25 = tpu.concatenate %cos3A_15, %cos3A_19, %sin3A_20, %sin3A_24 in 1 : vector<1000x128xf32>, vector<1000x128xf32>, vector<1000x128xf32>, vector<1000x128xf32> -> vector<1000x512xf32>
    %get3A_26 = arith.constant 0 : index
    %get3A_27 = arith.constant 0 : index
    %get3A_28 = vector.load %arg3[%get3A_26, %get3A_27] : memref<512x128xf32, #tpu.memory_space<vmem>>, vector<512x128xf32>
    %dot_general3A_29 = arith.constant dense<0.000000e+00> : vector<1000x128xf32>
    %dot_general3A_30 = tpu.matmul %concatenate3A_25, %get3A_28, %dot_general3A_29 {dimension_numbers = #tpu.dot_dimension_numbers<[1], [0], [0], [1], [0, 0, 1, 1], [], []>, transpose_lhs_hint = false} : vector<1000x512xf32>, vector<512x128xf32>, vector<1000x128xf32> -> vector<1000x128xf32>
    %swap3A_31 = arith.constant 0 : index
    %swap3A_32 = arith.constant 0 : index
    %swap3A_33 = vector.load %arg5[%swap3A_31, %swap3A_32] : memref<1000x128xf32, #tpu.memory_space<vmem>>, vector<1000x128xf32>
    tpu.vector_store %arg5[%swap3A_31, %swap3A_32], %dot_general3A_30 {strides = array<i32>} : memref<1000x128xf32, #tpu.memory_space<vmem>>, vector<1000x128xf32>,
    return
  }
  func.func @transform_0(%arg0: i32) -> (i32, i32) {
    %c0_i32 = arith.constant 0 : i32
    %c0_i32_0 = arith.constant 0 : i32
    return %arg0, %c0_i32 : i32, i32
  }
  func.func @transform_1(%arg0: i32) -> (i32, i32) {
    %c0_i32 = arith.constant 0 : i32
    %c0_i32_0 = arith.constant 0 : i32
    %c0_i32_1 = arith.constant 0 : i32
    return %c0_i32, %c0_i32_0 : i32, i32
  }
  func.func @transform_2(%arg0: i32) -> (i32, i32) {
    %c0_i32 = arith.constant 0 : i32
    %c0_i32_0 = arith.constant 0 : i32
    %c0_i32_1 = arith.constant 0 : i32
    return %c0_i32, %c0_i32_0 : i32, i32
  }
  func.func @transform_3(%arg0: i32) -> (i32, i32) {
    %c0_i32 = arith.constant 0 : i32
    %c0_i32_0 = arith.constant 0 : i32
    return %arg0, %c0_i32 : i32, i32
  }
  func.func @transform_4(%arg0: i32) -> (i32, i32) {
    %c0_i32 = arith.constant 0 : i32
    %c0_i32_0 = arith.constant 0 : i32
    return %arg0, %c0_i32 : i32, i32
  }
}

module attributes {stable_mosaic.version = 14 : i64} {
  func.func @_pool_body(%arg0: i32, %arg1: memref<1000x128xf32, #tpu.memory_space<vmem>>, %arg2: memref<1000x128xf32, #tpu.memory_space<vmem>>, %arg3: memref<1000x128xf32, #tpu.memory_space<vmem>>, %arg4: memref<1x1x1000xf32, #tpu.memory_space<vmem>>, %arg5: memref<8x128xf32, #tpu.memory_space<vmem>>, %arg6: memref<64x128xf32, #tpu.memory_space<vmem>>, %arg7: memref<64x128xf32, #tpu.memory_space<vmem>>, %arg8: memref<64x128xf32, #tpu.memory_space<vmem>>) attributes {dimension_semantics = [#tpu.dimension_semantics<arbitrary>], iteration_bounds = array<i64: 10>, scalar_prefetch = 0 : i64, scratch_operands = 2 : i64, tpu.core_type = #tpu.core_type<tc>, window_params = [{transform_indices = @transform_0, window_bounds = array<i64: 1000, 128>}, {transform_indices = @transform_1, window_bounds = array<i64: 1000, 128>}, {transform_indices = @transform_2, window_bounds = array<i64: 1000, 128>}, {transform_indices = @transform_3, window_bounds = array<i64: 1, 1, 1000>}, {pipeline_mode = #tpu.pipeline_mode<synchronous>, transform_indices = @transform_4, window_bounds = array<i64: 8, 128>}, {pipeline_mode = #tpu.pipeline_mode<synchronous>, transform_indices = @transform_5, window_bounds = array<i64: 64, 128>}]} {
    %eq3A = arith.constant 0 : i32
    %eq3A_0 = arith.cmpi eq, %arg0, %eq3A : i32
    %convert_element_type3A = arith.extui %eq3A_0 : i1 to i32
    %cond3A = arith.constant 0 : i32
    %cond3A_1 = arith.cmpi ne, %convert_element_type3A, %cond3A : i32
    scf.if %cond3A_1 {
      %broadcast_in_dim3A_48 = arith.constant 0.000000e+00 : f32
      %broadcast_in_dim3A_49 = vector.broadcast %broadcast_in_dim3A_48 : f32 to vector<64x128xf32>
      %swap3A_50 = arith.constant 0 : index
      %swap3A_51 = arith.constant 0 : index
      %swap3A_52 = vector.load %arg7[%swap3A_50, %swap3A_51] : memref<64x128xf32, #tpu.memory_space<vmem>>, vector<64x128xf32>
      tpu.vector_store %arg7[%swap3A_50, %swap3A_51], %broadcast_in_dim3A_49 {strides = array<i32>} : memref<64x128xf32, #tpu.memory_space<vmem>>, vector<64x128xf32>,
      %broadcast_in_dim3A_53 = arith.constant 0.000000e+00 : f32
      %broadcast_in_dim3A_54 = vector.broadcast %broadcast_in_dim3A_53 : f32 to vector<64x128xf32>
      %swap3A_55 = arith.constant 0 : index
      %swap3A_56 = arith.constant 0 : index
      %swap3A_57 = vector.load %arg8[%swap3A_55, %swap3A_56] : memref<64x128xf32, #tpu.memory_space<vmem>>, vector<64x128xf32>
      tpu.vector_store %arg8[%swap3A_55, %swap3A_56], %broadcast_in_dim3A_54 {strides = array<i32>} : memref<64x128xf32, #tpu.memory_space<vmem>>, vector<64x128xf32>,
    } else {
    }
    %get3A = arith.constant 0 : index
    %get3A_2 = arith.constant 0 : index
    %get3A_3 = vector.load %arg1[%get3A, %get3A_2] : memref<1000x128xf32, #tpu.memory_space<vmem>>, vector<1000x128xf32>
    %get3A_4 = arith.constant 0 : index
    %get3A_5 = arith.constant 0 : index
    %get3A_6 = vector.load %arg2[%get3A_4, %get3A_5] : memref<1000x128xf32, #tpu.memory_space<vmem>>, vector<1000x128xf32>
    %add3A = arith.addf %get3A_3, %get3A_6 : vector<1000x128xf32>
    %get3A_7 = arith.constant 0 : index
    %get3A_8 = arith.constant 0 : index
    %get3A_9 = vector.load %arg3[%get3A_7, %get3A_8] : memref<1000x128xf32, #tpu.memory_space<vmem>>, vector<1000x128xf32>
    %add3A_10 = arith.addf %add3A, %get3A_9 : vector<1000x128xf32>
    %ge3A = arith.constant 0.000000e+00 : f32
    %ge3A_11 = vector.broadcast %ge3A : f32 to vector<1000x128xf32>
    %ge3A_12 = arith.cmpf oge, %add3A_10, %ge3A_11 : vector<1000x128xf32>
    %mul3A = arith.constant 0.00999999977 : f32
    %mul3A_13 = vector.broadcast %mul3A : f32 to vector<1000x128xf32>
    %mul3A_14 = arith.mulf %mul3A_13, %add3A_10 : vector<1000x128xf32>
    %select_n3A = arith.select %ge3A_12, %add3A_10, %mul3A_14 : vector<1000x128xi1>, vector<1000x128xf32>
    %get3A_15 = arith.constant 0 : index
    %get3A_16 = arith.constant 0 : index
    %get3A_17 = arith.constant 0 : index
    %get3A_18 = vector.load %arg4[%get3A_15, %get3A_16, %get3A_17] : memref<1x1x1000xf32, #tpu.memory_space<vmem>>, vector<1x1x1000xf32>
    %get3A_19 = vector.shape_cast %get3A_18 : vector<1x1x1000xf32> to vector<1000xf32>
    %iota3A = tpu.iota {dimensions = array<i32: 0>} : vector<64x1000xi32>
    %convert_element_type3A_20 = arith.sitofp %iota3A : vector<64x1000xi32> to vector<64x1000xf32>
    %broadcast_in_dim3A = vector.shape_cast %get3A_19 : vector<1000xf32> to vector<1x1000xf32>
    %eq3A_21 = vector.broadcast %broadcast_in_dim3A : vector<1x1000xf32> to vector<64x1000xf32>
    %eq3A_22 = arith.cmpf oeq, %convert_element_type3A_20, %eq3A_21 : vector<64x1000xf32>
    %convert_element_type3A_23 = arith.extui %eq3A_22 : vector<64x1000xi1> to vector<64x1000xi32>
    %convert_element_type3A_24 = arith.sitofp %convert_element_type3A_23 : vector<64x1000xi32> to vector<64x1000xf32>
    %get3A_25 = arith.constant 0 : index
    %get3A_26 = arith.constant 0 : index
    %get3A_27 = vector.load %arg7[%get3A_25, %get3A_26] : memref<64x128xf32, #tpu.memory_space<vmem>>, vector<64x128xf32>
    %dot_general3A = arith.constant dense<0.000000e+00> : vector<64x128xf32>
    %dot_general3A_28 = tpu.matmul %convert_element_type3A_24, %select_n3A, %dot_general3A {dimension_numbers = #tpu.dot_dimension_numbers<[1], [0], [0], [1], [0, 0, 1, 1], [], []>, transpose_lhs_hint = false} : vector<64x1000xf32>, vector<1000x128xf32>, vector<64x128xf32> -> vector<64x128xf32>
    %add3A_29 = arith.addf %get3A_27, %dot_general3A_28 : vector<64x128xf32>
    %swap3A = arith.constant 0 : index
    %swap3A_30 = arith.constant 0 : index
    %swap3A_31 = vector.load %arg7[%swap3A, %swap3A_30] : memref<64x128xf32, #tpu.memory_space<vmem>>, vector<64x128xf32>
    tpu.vector_store %arg7[%swap3A, %swap3A_30], %add3A_29 {strides = array<i32>} : memref<64x128xf32, #tpu.memory_space<vmem>>, vector<64x128xf32>,
    %get3A_32 = arith.constant 0 : index
    %get3A_33 = arith.constant 0 : index
    %get3A_34 = vector.load %arg8[%get3A_32, %get3A_33] : memref<64x128xf32, #tpu.memory_space<vmem>>, vector<64x128xf32>
    %reduce_sum3A = arith.constant dense<0.000000e+00> : vector<64xf32>
    %reduce_sum3A_35 = vector.multi_reduction <add>, %convert_element_type3A_24, %reduce_sum3A [1] : vector<64x1000xf32> to vector<64xf32>
    %broadcast_in_dim3A_36 = vector.shape_cast %reduce_sum3A_35 : vector<64xf32> to vector<64x1xf32>
    %broadcast_in_dim3A_37 = vector.shape_cast %broadcast_in_dim3A_36 : vector<64x1xf32> to vector<64x1xf32>
    %broadcast_in_dim3A_38 = vector.broadcast %broadcast_in_dim3A_37 : vector<64x1xf32> to vector<64x128xf32>
    %add3A_39 = arith.addf %get3A_34, %broadcast_in_dim3A_38 : vector<64x128xf32>
    %swap3A_40 = arith.constant 0 : index
    %swap3A_41 = arith.constant 0 : index
    %swap3A_42 = vector.load %arg8[%swap3A_40, %swap3A_41] : memref<64x128xf32, #tpu.memory_space<vmem>>, vector<64x128xf32>
    tpu.vector_store %arg8[%swap3A_40, %swap3A_41], %add3A_39 {strides = array<i32>} : memref<64x128xf32, #tpu.memory_space<vmem>>, vector<64x128xf32>,
    %eq3A_43 = arith.constant 9 : i32
    %eq3A_44 = arith.cmpi eq, %arg0, %eq3A_43 : i32
    %convert_element_type3A_45 = arith.extui %eq3A_44 : i1 to i32
    %cond3A_46 = arith.constant 0 : i32
    %cond3A_47 = arith.cmpi ne, %convert_element_type3A_45, %cond3A_46 : i32
    scf.if %cond3A_47 {
      %get3A_48 = arith.constant 0 : index
      %get3A_49 = arith.constant 0 : index
      %get3A_50 = vector.load %arg7[%get3A_48, %get3A_49] : memref<64x128xf32, #tpu.memory_space<vmem>>, vector<64x128xf32>
      %get3A_51 = arith.constant 0 : index
      %get3A_52 = arith.constant 0 : index
      %get3A_53 = vector.load %arg8[%get3A_51, %get3A_52] : memref<64x128xf32, #tpu.memory_space<vmem>>, vector<64x128xf32>
      %max3A = arith.constant 1.000000e+00 : f32
      %max3A_54 = vector.broadcast %max3A : f32 to vector<64x128xf32>
      %max3A_55 = arith.maximumf %get3A_53, %max3A_54 : vector<64x128xf32>
      %div3A = arith.divf %get3A_50, %max3A_55 : vector<64x128xf32>
      %get3A_56 = arith.constant 0 : index
      %get3A_57 = arith.constant 0 : index
      %get3A_58 = vector.load %arg5[%get3A_56, %get3A_57] : memref<8x128xf32, #tpu.memory_space<vmem>>, vector<1x128xf32>
      %get3A_59 = arith.constant 1 : index
      %get3A_60 = arith.constant 0 : index
      %get3A_61 = vector.load %arg5[%get3A_59, %get3A_60] : memref<8x128xf32, #tpu.memory_space<vmem>>, vector<1x128xf32>
      %get3A_62 = arith.constant 2 : index
      %get3A_63 = arith.constant 0 : index
      %get3A_64 = vector.load %arg5[%get3A_62, %get3A_63] : memref<8x128xf32, #tpu.memory_space<vmem>>, vector<1x1xf32>
      %get3A_65 = vector.extract %get3A_64[0, 0] : f32 from vector<1x1xf32>
      %cos3A = math.cos %div3A : vector<64x128xf32>
      %mul3A_66 = vector.broadcast %get3A_58 : vector<1x128xf32> to vector<64x128xf32>
      %mul3A_67 = arith.mulf %cos3A, %mul3A_66 : vector<64x128xf32>
      %sin3A = math.sin %div3A : vector<64x128xf32>
      %mul3A_68 = vector.broadcast %get3A_61 : vector<1x128xf32> to vector<64x128xf32>
      %mul3A_69 = arith.mulf %sin3A, %mul3A_68 : vector<64x128xf32>
      %add3A_70 = arith.addf %mul3A_67, %mul3A_69 : vector<64x128xf32>
      %reduce_sum3A_71 = arith.constant dense<0.000000e+00> : vector<64xf32>
      %reduce_sum3A_72 = vector.multi_reduction <add>, %add3A_70, %reduce_sum3A_71 [1] : vector<64x128xf32> to vector<64xf32>
      %broadcast_in_dim3A_73 = vector.shape_cast %reduce_sum3A_72 : vector<64xf32> to vector<64x1xf32>
      %add3A_74 = vector.broadcast %get3A_65 : f32 to vector<64x1xf32>
      %add3A_75 = arith.addf %broadcast_in_dim3A_73, %add3A_74 : vector<64x1xf32>
      %neg3A = arith.constant 0.000000e+00 : f32
      %neg3A_76 = vector.broadcast %neg3A : f32 to vector<64x1xf32>
      %neg3A_77 = arith.subf %neg3A_76, %add3A_75 : vector<64x1xf32>
      %exp3A = math.exp %neg3A_77 : vector<64x1xf32>
      %add3A_78 = arith.constant 1.000000e+00 : f32
      %add3A_79 = vector.broadcast %add3A_78 : f32 to vector<64x1xf32>
      %add3A_80 = arith.addf %add3A_79, %exp3A : vector<64x1xf32>
      %div3A_81 = arith.constant 1.000000e+00 : f32
      %div3A_82 = vector.broadcast %div3A_81 : f32 to vector<64x1xf32>
      %div3A_83 = arith.divf %div3A_82, %add3A_80 : vector<64x1xf32>
      %broadcast_in_dim3A_84 = vector.shape_cast %div3A_83 : vector<64x1xf32> to vector<64x1xf32>
      %broadcast_in_dim3A_85 = vector.broadcast %broadcast_in_dim3A_84 : vector<64x1xf32> to vector<64x128xf32>
      %swap3A_86 = arith.constant 0 : index
      %swap3A_87 = arith.constant 0 : index
      %swap3A_88 = vector.load %arg6[%swap3A_86, %swap3A_87] : memref<64x128xf32, #tpu.memory_space<vmem>>, vector<64x128xf32>
      tpu.vector_store %arg6[%swap3A_86, %swap3A_87], %broadcast_in_dim3A_85 {strides = array<i32>} : memref<64x128xf32, #tpu.memory_space<vmem>>, vector<64x128xf32>,
    } else {
    }
    return
  }
  func.func @transform_0(%arg0: i32) -> (i32, i32) {
    %c0_i32 = arith.constant 0 : i32
    %c0_i32_0 = arith.constant 0 : i32
    return %arg0, %c0_i32 : i32, i32
  }
  func.func @transform_1(%arg0: i32) -> (i32, i32) {
    %c0_i32 = arith.constant 0 : i32
    %c0_i32_0 = arith.constant 0 : i32
    return %arg0, %c0_i32 : i32, i32
  }
  func.func @transform_2(%arg0: i32) -> (i32, i32) {
    %c0_i32 = arith.constant 0 : i32
    %c0_i32_0 = arith.constant 0 : i32
    return %arg0, %c0_i32 : i32, i32
  }
  func.func @transform_3(%arg0: i32) -> (i32, i32, i32) {
    %c0_i32 = arith.constant 0 : i32
    %c0_i32_0 = arith.constant 0 : i32
    %c0_i32_1 = arith.constant 0 : i32
    return %arg0, %c0_i32, %c0_i32_0 : i32, i32, i32
  }
  func.func @transform_4(%arg0: i32) -> (i32, i32) {
    %c0_i32 = arith.constant 0 : i32
    %c0_i32_0 = arith.constant 0 : i32
    %c0_i32_1 = arith.constant 0 : i32
    return %c0_i32, %c0_i32_0 : i32, i32
  }
  func.func @transform_5(%arg0: i32) -> (i32, i32) {
    %c0_i32 = arith.constant 0 : i32
    %c0_i32_0 = arith.constant 0 : i32
    %c0_i32_1 = arith.constant 0 : i32
    return %c0_i32, %c0_i32_0 : i32, i32
  }
}

</mosaic_0001>

<sc_bundles>
// kernel: kernel.5.cloned.1.call-start
scs
__scs_entry_jumppad:
0x0: {  	(pc) =	sbr.rel $0x88, $3  }
0x1: {  	(tag) =	ssettag $0x0;
	lr =	simm.s32 $0x1  }
0x2: {  	[smem:$0x3F9A] =	sst lr;
	_ =	strace $0xD0000000  }
0x3: {  	_ = 	snop  }
0x4: {  	_ = 	snop  }
0x5: {  	_ = 	snop  }
0x6: {  	_ = 	snop  }
0x7: {  	_ = 	snop  }
__scs_overlays_trampoline_lowered:
0x8: {  	[smem:$0x3FA9] =	sst s0  }
0x9: {  	[smem:$0x3FAA] =	sst s1  }
0xa: {  	[smem:$0x3FAB] =	sst s2  }
0xb: {  	[smem:$0x3FAC] =	sst s3  }
0xc: {  	[smem:$0x3FAD] =	sst s4  }
0xd: {  	[smem:$0x3FAE] =	sst s5  }
0xe: {  	[smem:$0x3FAF] =	sst s6  }
0xf: {  	[smem:$0x3FB0] =	sst s7  }
0x10: {  	[smem:$0x3FB1] =	sst s8  }
0x11: {  	[smem:$0x3FB2] =	sst s9;
	s0 =	simm.s32 @!p0 $0x0  }
0x12: {  	s1 =	sld [smem:$0x3F98];
	s0 =	simm.s32 @p0 $0x1  }
0x13: {  	[smem:$0x3FB3] =	sst s0;
	s0 =	simm.s32 @!p1 $0x0  }
0x14: {  	s2 =	sld [smem:$0x3F97];
	s0 =	simm.s32 @p1 $0x1  }
0x15: {  	[smem:$0x3FB4] =	sst s0;
	s0 =	simm.s32 @!p2 $0x0  }
0x16: {  	s3 =	sld [smem:$0x3FDB];
	s0 =	simm.s32 @p2 $0x1  }
0x17: {  	s4 =	simm.s32 $0x1BF5;
	[smem:$0x3FB6] =	sst s0  }
0x18: {  	s0 =	sld [smem:$0x3F99];
	_ =	swait.ge [sflag:s4], $0x0  }
0x19: {  	s7 =	sld [smem:$0x3F9A]  }
0x1a: {  	s8 =	sadd.s32 $0xFFFFE003, lr  }
0x1b: {  	s9 =	sadd.s32 $0xFFFFFEF7, lr;
	s5 =	simm.s32 $0xFFFFFFFF;
	p2 =	slt.u32 s8, $0xFFFFF086  }
0x1c: {  	p1 =	slt.u32 s9, $0xF7A;
	s5 =	simm.s32 @!p2 $0x0  }
0x1d: {  	s5 =	simm.s32 @p1 $0x1;
	p0 =	seq.s32 s7, s2  }
0x1e: {  	s7 =	smul.u32 @!p0 $0xF7A, s2;
	p2 =	seq.s32 @!p0 s5, $0x0  }
0x1f: {  	s9 =	smul.u32 $0xF7A, s1;
	s8 =	simm.s32 @!p0 $0x1BF5;
	p2 =	por !p2, p0  }
0x20: {  	[sflag:s8] =	ssyncset.s32 @!p0 $0xFFFFF086;
	s6 =	sadd.s32 @!p0 s3, s7;
	s7 =	simm.s32 @!p0 $0x108  }
0x21: {  	s3 =	sadd.s32 s3, s9;
	s6 =	sadd.s32 @!p0 $0x88, s6;
	s7 =	simm.s32 @p2 $0x1082  }
0x22: {  	[simem:s7], [sflag:s8] =	dma.local @!p0 [hbm:s6], $0xF7A  }
0x23: {  	s9 =	sor.u32 $0xD0000000, s2;
	s6 =	simm.s32 $0x108;
	_ =	swait.ge @!p0 [sflag:s8], $0x0  }
0x24: {  	s3 =	sadd.s32 $0x88, s3;
	s6 =	simm.s32 @!p1 $0x1082;
	[sflag:s4] =	ssyncset.s32 $0xFFFFF086  }
0x25: {  	[simem:s6], [sflag:s4] =	dma.local [hbm:s3], $0xF7A  }
0x26: {  	[smem:$0x3F9A] =	sst s1;
	(tag) =	ssettag s2;
	_ =	strace s9  }
0x27: {  	s1 =	sld [smem:$0x3FAA]  }
0x28: {  	s2 =	sld [smem:$0x3FAB]  }
0x29: {  	s4 =	sld [smem:$0x3FAD]  }
0x2a: {  	p0 =	seq.s32 s5, $0x0;
	s5 =	sld [smem:$0x3FAE]  }
0x2b: {  	s6 =	sld [smem:$0x3FAF]  }
0x2c: {  	s7 =	sld [smem:$0x3FB0]  }
0x2d: {  	s3 =	simm.s32 $0x108;
	s8 =	sld [smem:$0x3FB1]  }
0x2e: {  	s3 =	simm.s32 @!p0 $0x1082;
	s9 =	sld [smem:$0x3FB2]  }
0x2f: {  	lr =	sadd.s32 s0, s3;
	s0 =	sld [smem:$0x3FA9]  }
0x30: {  	s3 =	sld [smem:$0x3FAC]  }
0x31: {  	[smem:$0x3FB5] =	sst s10  }
0x32: {  	s10 =	sld [smem:$0x3FB3];
	_ =	sdelay $0x3  }
0x33: {  	p0 =	seq.s32 s10, $0x1;
	s10 =	sld [smem:$0x3FB5];
	_ =	sdelay $0x3  }
0x34: {  	[smem:$0x3FB5] =	sst s10  }
0x35: {  	s10 =	sld [smem:$0x3FB4];
	_ =	sdelay $0x3  }
0x36: {  	p1 =	seq.s32 s10, $0x1;
	s10 =	sld [smem:$0x3FB5];
	_ =	sdelay $0x3  }
0x37: {  	[smem:$0x3FB5] =	sst s10  }
0x38: {  	s10 =	sld [smem:$0x3FB6]  }
0x39: {  	_ = 	snop;
	(pc) =	sbr.ind lr, $3  }
0x3a: {  	_ = 	snop  }
0x3b: {  	_ = 	snop  }
0x3c: {  	p2 =	seq.s32 s10, $0x1;
	s10 =	sld [smem:$0x3FB5]  }
0x3d: {  	_ =	shalt  }
0x3e: {  	_ =	shalt  }
0x3f: {  	_ =	shalt  }
0x40: {  	_ =	shalt  }
0x41: {  	_ =	shalt  }
0x42: {  	_ =	shalt  }
0x43: {  	_ =	shalt  }
0x44: {  	_ =	shalt  }
0x45: {  	_ =	shalt  }
0x46: {  	_ =	shalt  }
0x47: {  	_ =	shalt  }
0x48: {  	_ =	shalt  }
0x49: {  	_ =	shalt  }
0x4a: {  	_ =	shalt  }
0x4b: {  	_ =	shalt  }
0x4c: {  	_ =	shalt  }
0x4d: {  	_ =	shalt  }
0x4e: {  	_ =	shalt  }
0x4f: {  	_ =	shalt  }
0x50: {  	_ =	shalt  }
0x51: {  	_ =	shalt  }
0x52: {  	_ =	shalt  }
0x53: {  	_ =	shalt  }
0x54: {  	_ =	shalt  }
0x55: {  	_ =	shalt  }
0x56: {  	_ =	shalt  }
0x57: {  	_ =	shalt  }
0x58: {  	_ =	shalt  }
0x59: {  	_ =	shalt  }
0x5a: {  	_ =	shalt  }
0x5b: {  	_ =	shalt  }
0x5c: {  	_ =	shalt  }
0x5d: {  	_ =	shalt  }
0x5e: {  	_ =	shalt  }
0x5f: {  	_ =	shalt  }
0x60: {  	_ =	shalt  }
0x61: {  	_ =	shalt  }
0x62: {  	_ =	shalt  }
0x63: {  	_ =	shalt  }
0x64: {  	_ =	shalt  }
0x65: {  	_ =	shalt  }
0x66: {  	_ =	shalt  }
0x67: {  	_ =	shalt  }
0x68: {  	_ =	shalt  }
0x69: {  	_ =	shalt  }
0x6a: {  	_ =	shalt  }
0x6b: {  	_ =	shalt  }
0x6c: {  	_ =	shalt  }
0x6d: {  	_ =	shalt  }
0x6e: {  	_ =	shalt  }
0x6f: {  	_ =	shalt  }
0x70: {  	_ =	shalt  }
0x71: {  	_ =	shalt  }
0x72: {  	_ =	shalt  }
0x73: {  	_ =	shalt  }
0x74: {  	_ =	shalt  }
0x75: {  	_ =	shalt  }
0x76: {  	_ =	shalt  }
0x77: {  	_ =	shalt  }
0x78: {  	_ =	shalt  }
0x79: {  	_ =	shalt  }
0x7a: {  	_ =	shalt  }
0x7b: {  	_ =	shalt  }
0x7c: {  	_ =	shalt  }
0x7d: {  	_ =	shalt  }
0x7e: {  	_ =	shalt  }
0x7f: {  	_ =	shalt  }
0x80: {  	_ =	shalt  }
0x81: {  	_ =	shalt  }
0x82: {  	_ =	shalt  }
0x83: {  	_ =	shalt  }
0x84: {  	_ =	shalt  }
0x85: {  	_ =	shalt  }
0x86: {  	_ =	shalt  }
0x87: {  	_ =	shalt  }
.Lfunc_end0:
.L_simem_size_0:
called_computation_lowered:
.L_overlay_start_0:
0x88: {  	s2 =	sld [smem:$0x3FD9]  }
0x89: {  	s3 =	sld [smem:$0x3FFE];
	_ =	sdelay $0x1  }
0x8a: {  	s1 =	srdreg.scid  }
0x8b: {  	s0 =	sand.u32 $0x1, s1  }
0x8c: {  	s16 =	sshll.u32 s0, $0xA;
	s2 =	sadd.s32 s3, s2  }
0x8d: {  	s2 =	sadd.s32 s2, s16  }
0x8e: {  	[smem:$0x3FC1] =	sst s2  }
0x8f: {  	_ = 	snop  }
0x90: {  	(tm) =	ssettm $0x1  }
0x91: {  	s17 =	sld [smem:$0x3FFB];
	_ =	sdelay $0x3  }
0x92: {  	_ =	strace s17  }
0x93: {  	s2 =	sld [smem:$0x3FFC];
	_ =	sdelay $0x3  }
0x94: {  	_ =	strace s2  }
0x95: {  	s2 =	sld [smem:$0x3FFD];
	_ =	sdelay $0x3  }
0x96: {  	_ =	strace s2  }
0x97: {  	_ =	strace $0x8FFFFFFF  }
0x98: {  	s18 =	sld [smem:$0x3FDB];
	_ =	sdelay $0x1  }
0x99: {  	s19 =	simm.s32 $_scs_section_size  }
0x9a: {  	s4 =	simm.s32 $_size__tile_overlayer_lowered;
	s5 =	simm.s32 $_tile_overlayer_lowered  }
0x9b: {  	s22 =	simm.s32 $0x1BFF;
	s21 =	sshll.u32 s5, $0x1;
	s2 =	sadd.s32 s19, s18  }
0x9c: {  	s6 =	simm.s32 $0x0;
	s20 =	sshll.u32 s4, $0x1;
	s4 =	sadd.s32 s21, s2  }
0x9d: {  	[timem:s6], [sflag:s22] =	dma.local [hbm:s4], s20  }
0x9e: {  	_ =	swait.ge [sflag:s22], s20  }
0x9f: {  	s3 =	ssub.s32 $0x0, s20;
	[sflag:s22] =	ssyncset.done $0x0  }
0xa0: {  	[sflag:s22] =	ssyncadd.s32 s3;
	_ =	sdelay $0x1  }
0xa1: {  	s23 =	simm.s32 $0x1B8B  }
0xa2: {  	_ =	swait.ge [sflag:s23], $0x1  }
0xa3: {  	[sflag:s23] =	ssyncset.done $0x0  }
0xa4: {  	s25 =	simm.s32 $0x1B8E;
	s24 =	sld [smem:$0x3FFE];
	[sflag:s23] =	ssyncadd.s32 $0xFFFFFFFF  }
0xa5: {  	s26 =	simm.s32 $execute0_lowered;
	[smem:$0x3FD2] =	sst s25  }
0xa6: {  	s4 =	sshll.u32 s26, $0x1;
	_ =	strace $0x80000046;
	[dreg:$0x1] =	wrdreg $0xFFFFFFFF  }
0xa7: {  	s28 =	simm.s32 $_size_execute0_lowered;
	s2 =	sadd.s32 s2, s4;
	[dreg:$0x0] =	wrdreg $0x0  }
0xa8: {  	s4 =	sshll.u32 s28, $0x1;
	[dreg:$0x2] =	wrdreg s2  }
0xa9: {  	[dreg:$0x3] =	wrdreg s4  }
0xaa: {  	[dreg:$0x4] =	wrdreg $0xC0  }
0xab: {  	_ =	task [dreg:s6], $0x5FFFF  }
0xac: {  	[dreg:$0x1] =	wrdreg $0xFFFFFFFF  }
0xad: {  	[dreg:$0x0] =	wrdreg $0x60  }
0xae: {  	[dreg:$0x2] =	wrdreg s24  }
0xaf: {  	[dreg:$0x3] =	wrdreg $0xB0000  }
0xb0: {  	[dreg:$0x4] =	wrdreg $0x9  }
0xb1: {  	_ =	task.clear_ibuf [dreg:s6], $0x5FFFF;
	_ =	strace $0x90000046  }
0xb2: {  	s29 =	simm.s32 $0x9;
	_ =	strace $0x8000004B  }
0xb3: {  	_ =	swait.ge [sflag:s29], $0x1  }
0xb4: {  	[sflag:s29] =	ssyncadd.s32 $0xFFFFFFFF  }
0xb5: {  	_ =	strace $0x9000004B  }
0xb6: {  	_ =	sfence  }
0xb7: {  	s30 =	sld [smem:$0x0];
	_ =	sdelay $0x2  }
0xb8: {  	s31 =	sshll.u32 s1, $0xD;
	s1 =	sshrl.u32 s1, $0x2  }
0xb9: {  	s3 =	sand.u32 $0x4000, s31;
	s1 =	sadd.s32 s1, s30  }
0xba: {  	s0 =	sor.u32 s3, s0;
	s1 =	sshll.u32 s1, $0x11  }
0xbb: {  	s0 =	sor.u32 s1, s0  }
0xbc: {  	s0 =	sadd.s32 $0x8F2B, s0  }
0xbd: {  	[sflag:s0] =	ssyncadd.remote.s32 $0x1  }
0xbe: {  	_ =	sfence.sel $0xFFFF  }
0xbf: {  	[dreg:$0x0] =	wrdreg $0xFFFFFFFF;
	(pc) =	sbr.abs _section_cstart, $3  }
0xc0: {  	[dreg:$0x1] =	wrdreg $0xFFFFFFFF  }
0xc1: {  	_ =	task.clear_ibuf [dreg:s6], $0x2FFFF;
	_ =	strace $0x9FFFFFFF  }
0xc2: {  	(tm) =	ssettm $0x7FFFFFFF  }
0xc3: {  	_ =	shalt  }
tec
execute0_lowered:
.L_overlay_start_1:
0x0: {  	(tag) =	ssettag $0x1  }
0x1: {  	s0 =	rddreg [dreg:$0x0]  }
0x2: {  	s1 =	rddreg [dreg:$0x1]  }
0x3: {  	s3 =	simm.s32 $0x0;
	s2 =	stileid.u32;
	s5 =	srdreg.scid  }
0x4: {  	s28 =	simm.s32 $0x3;
	s30 =	simm.s32 $0x4;
	s29 =	simm.s32 $0x1B00  }
0x5: {  	s31 =	simm.s32 $0x2F00;
	[smem:$0x7FF] =	sst s3;
	s4 =	sadd.s32 $0x15A00, s0  }
0x6: {  	s6 =	smul.u32 $0x13C00, s2;
	s7 =	sand.u32 $0x1, s5;
	s8 =	sadd.s32 $0xB200, s0  }
0x7: {  	s12 =	sshll.u32 s2, $0x7;
	s10 =	sadd.s32 $0x1A00, s0;
	s15 =	smul.u32 $0x4F000, s2  }
0x8: {  	_ =	strace $0x80000047;
	s9 =	smul.u32 $0x13C000, s7;
	s11 =	sadd.s32 s12, s0  }
0x9: {  	s16 =	ssub.s32 $0x2, s7;
	p0 =	seq.s32 s7, $0x1;
	s13 =	sshrl.u32 s6, $0x3  }
0xa: {  	s17 =	sshrl.u32 s16, $0x1;
	s12 =	sadd.s32 s13, s0;
	s14 =	sadd.s32 s6, s9  }
0xb: {  	s13 =	smul.u32 $0x4C00, s2;
	s6 =	sshrl.u32 s15, $0x2;
	s9 =	ssub.s32 s16, s17  }
0xc: {  	s15 =	sadd.s32 $0x14A00, s11;
	s16 =	sadd.s32 $0x15200, s11;
	s5 =	sshrl.u32 s14, $0x3  }
0xd: {  	s11 =	simm.s32 $0x1880;
	s14 =	simm.s32 $0x2F80;
	s0 =	sadd.s32 s5, s0  }
0xe: {  	s5 =	sadd.s32 s6, s1;
	s13 =	sshrl.u32 s13, $0x3;
	s6 =	sadd.s32 $0x3CC00, s12  }
0xf: {  	s12 =	simm.s32 $0x300;
	s18 =	sadd.s32 $0x300, s13;
	s19 =	sadd.s32 s8, s13  }
0x10: {  	s20 =	sadd.s32 s10, s13;
	s22 =	sadd.s32 $0x600, s13;
	s23 =	sadd.s32 $0x900, s13  }
0x11: {  	s17 =	sadd.s32 $0x64400, s0;
	s13 =	simm.s32 $0x1B80;
	[dreg:$0x3] =	wrdreg s19  }
0x12: {  	s0 =	simm.s32 $0x0;
	[dreg:$0x4] =	wrdreg s20;
	s21 =	sadd.s32 s8, s18  }
0x13: {  	s7 =	sadd.s32 s10, s18;
	s24 =	sadd.s32 s8, s22;
	[dreg:$0x5] =	wrdreg s21  }
0x14: {  	s25 =	sadd.s32 s8, s23;
	s26 =	sadd.s32 s10, s23;
	[dreg:$0x6] =	wrdreg s7  }
.Ltmp0:
0x15: {  	s18 =	smax.u32 s9, $0x1;
	[dreg:$0x7] =	wrdreg s24;
	(pc) =	sbr.rel .LBB2_1-.Ltmp0, $4  }
0x16: {  	s19 =	simm.s32 $0x5;
	s20 =	simm.s32 $0x1800;
	[dreg:$0x9] =	wrdreg s25  }
0x17: {  	s23 =	simm.s32 $0x7000;
	s7 =	sadd.s32 s10, s22;
	[dreg:$0xa] =	wrdreg s26  }
0x18: {  	s21 =	simm.s32 $0x80;
	s22 =	simm.s32 $0x3000;
	s24 =	simm.s32 $0x1  }
0x19: {  	s25 =	simm.s32 $0x2;
	s26 =	simm.s32 $0x380;
	[dreg:$0x8] =	wrdreg s7  }
.LBB2_8:
0x1a: {  	[tilespmem:s23], [sflag:$0x2] =	stream.indirect.gather [hbm4b:s4+s21], $0x80, s10, s21, $0x2000b8;
	[tilespmem:$0x1EC00] =	vst v63  }
0x1b: {  	_ =	swait.ge [sflag:s24], $0x4000  }
0x1c: {  	[sflag:s24] =	ssyncset.done $0x0  }
0x1d: {  	[sflag:s24] =	ssyncadd.s32 $0xFFFFC000  }
0x1e: {  	[spmem:s1] =	stream.indirect.scatter.add.f32 [tilespmem:s22], [sflag:$0x3], $0x80, s31, s21, $0x2000b8;
	[tilespmem:$0x1EC00] =	vst v63  }
0x1f: {  	_ =	swait.ge [sflag:s25], $0x4000  }
0x20: {  	[sflag:s25] =	ssyncset.done $0x0  }
0x21: {  	[sflag:s25] =	ssyncadd.s32 $0xFFFFC000  }
0x22: {  	[spmem:s1] =	stream.indirect.scatter.add.f32 [tilespmem:s23], [sflag:$0x4], $0x80, s14, s21, $0x2000b8;
	[tilespmem:$0x1EC00] =	vst v63  }
0x23: {  	_ =	swait.ge [sflag:s28], $0x4000  }
0x24: {  	[sflag:s28] =	ssyncset.done $0x0  }
0x25: {  	[sflag:s28] =	ssyncadd.s32 $0xFFFFC000  }
0x26: {  	_ =	swait.ge [sflag:s30], $0x4000  }
0x27: {  	[sflag:s30] =	ssyncset.done $0x0;
	s10 =	rddreg [dreg:$0x9]  }
0x28: {  	s11 =	simm.s32 $0x1880;
	s9 =	rddreg [dreg:$0xa];
	[sflag:s30] =	ssyncadd.s32 $0xFFFFC000  }
.LBB2_9:
0x29: {  	[tilespmem:s3], [sflag:$0x5] =	stream.linear.gather [hbm4b:s10+s3], $0x400, $0x200038;
	[tilespmem:$0x1EC00] =	vst v63  }
0x2a: {  	_ =	swait.ge [sflag:s19], $0x400  }
0x2b: {  	[sflag:s19] =	ssyncset.done $0x0  }
0x2c: {  	[sflag:s19] =	ssyncadd.s32 $0xFFFFFC00  }
0x2d: {  	[tilespmem:s20], [sflag:$0x5] =	stream.linear.gather [hbm4b:s9+s3], $0x400, $0x200038;
	[tilespmem:$0x1EC00] =	vst v63  }
0x2e: {  	_ =	swait.ge [sflag:s19], $0x400  }
0x2f: {  	[sflag:s19] =	ssyncset.done $0x0  }
0x30: {  	[sflag:s19] =	ssyncadd.s32 $0xFFFFFC00  }
0x31: {  	[tilespmem:s22], [sflag:$0x1] =	stream.indirect.gather [hbm4b:s4+s21], $0x80, s3, s21, $0x2000b8;
	[tilespmem:$0x1EC00] =	vst v63  }
0x32: {  	_ = 	snop  }
0x33: {  	[tilespmem:s23], [sflag:$0x2] =	stream.indirect.gather [hbm4b:s4+s21], $0x80, s21, s21, $0x2000b8;
	[tilespmem:$0x1EC00] =	vst v63  }
0x34: {  	_ =	swait.ge [sflag:s24], $0x4000  }
0x35: {  	[sflag:s24] =	ssyncset.done $0x0  }
0x36: {  	[sflag:s24] =	ssyncadd.s32 $0xFFFFC000  }
0x37: {  	[spmem:s1] =	stream.indirect.scatter.add.f32 [tilespmem:s22], [sflag:$0x3], $0x80, s20, s21, $0x2000b8;
	[tilespmem:$0x1EC00] =	vst v63  }
0x38: {  	_ =	swait.ge [sflag:s25], $0x4000  }
0x39: {  	[sflag:s25] =	ssyncset.done $0x0  }
0x3a: {  	[sflag:s25] =	ssyncadd.s32 $0xFFFFC000  }
0x3b: {  	[spmem:s1] =	stream.indirect.scatter.add.f32 [tilespmem:s23], [sflag:$0x4], $0x80, s11, s21, $0x2000b8;
	[tilespmem:$0x1EC00] =	vst v63  }
0x3c: {  	_ =	swait.ge [sflag:s28], $0x4000  }
0x3d: {  	[sflag:s28] =	ssyncset.done $0x0  }
0x3e: {  	s10 =	simm.s32 $0x100;
	[sflag:s28] =	ssyncadd.s32 $0xFFFFC000  }
0x3f: {  	[tilespmem:s22], [sflag:$0x1] =	stream.indirect.gather [hbm4b:s4+s21], $0x80, s10, s21, $0x2000b8;
	[tilespmem:$0x1EC00] =	vst v63  }
0x40: {  	_ =	swait.ge [sflag:s30], $0x4000  }
0x41: {  	[sflag:s30] =	ssyncset.done $0x0  }
0x42: {  	s10 =	simm.s32 $0x180;
	[sflag:s30] =	ssyncadd.s32 $0xFFFFC000  }
0x43: {  	[tilespmem:s23], [sflag:$0x2] =	stream.indirect.gather [hbm4b:s4+s21], $0x80, s10, s21, $0x2000b8;
	[tilespmem:$0x1EC00] =	vst v63  }
0x44: {  	_ =	swait.ge [sflag:s24], $0x4000  }
0x45: {  	[sflag:s24] =	ssyncset.done $0x0  }
0x46: {  	s10 =	simm.s32 $0x1900;
	[sflag:s24] =	ssyncadd.s32 $0xFFFFC000  }
0x47: {  	[spmem:s1] =	stream.indirect.scatter.add.f32 [tilespmem:s22], [sflag:$0x3], $0x80, s10, s21, $0x2000b8;
	[tilespmem:$0x1EC00] =	vst v63  }
0x48: {  	_ =	swait.ge [sflag:s25], $0x4000  }
0x49: {  	[sflag:s25] =	ssyncset.done $0x0  }
0x4a: {  	s10 =	simm.s32 $0x1980;
	[sflag:s25] =	ssyncadd.s32 $0xFFFFC000  }
0x4b: {  	[spmem:s1] =	stream.indirect.scatter.add.f32 [tilespmem:s23], [sflag:$0x4], $0x80, s10, s21, $0x2000b8;
	[tilespmem:$0x1EC00] =	vst v63  }
0x4c: {  	_ =	swait.ge [sflag:s28], $0x4000  }
0x4d: {  	[sflag:s28] =	ssyncset.done $0x0  }
0x4e: {  	s10 =	simm.s32 $0x200;
	[sflag:s28] =	ssyncadd.s32 $0xFFFFC000  }
0x4f: {  	[tilespmem:s22], [sflag:$0x1] =	stream.indirect.gather [hbm4b:s4+s21], $0x80, s10, s21, $0x2000b8;
	[tilespmem:$0x1EC00] =	vst v63  }
0x50: {  	_ =	swait.ge [sflag:s30], $0x4000  }
0x51: {  	[sflag:s30] =	ssyncset.done $0x0  }
0x52: {  	s10 =	simm.s32 $0x280;
	[sflag:s30] =	ssyncadd.s32 $0xFFFFC000  }
0x53: {  	[tilespmem:s23], [sflag:$0x2] =	stream.indirect.gather [hbm4b:s4+s21], $0x80, s10, s21, $0x2000b8;
	[tilespmem:$0x1EC00] =	vst v63  }
0x54: {  	_ =	swait.ge [sflag:s24], $0x4000  }
0x55: {  	[sflag:s24] =	ssyncset.done $0x0  }
0x56: {  	s10 =	simm.s32 $0x1A00;
	[sflag:s24] =	ssyncadd.s32 $0xFFFFC000  }
0x57: {  	[spmem:s1] =	stream.indirect.scatter.add.f32 [tilespmem:s22], [sflag:$0x3], $0x80, s10, s21, $0x2000b8;
	[tilespmem:$0x1EC00] =	vst v63  }
0x58: {  	_ =	swait.ge [sflag:s25], $0x4000  }
0x59: {  	[sflag:s25] =	ssyncset.done $0x0  }
0x5a: {  	s10 =	simm.s32 $0x1A80;
	[sflag:s25] =	ssyncadd.s32 $0xFFFFC000  }
0x5b: {  	[spmem:s1] =	stream.indirect.scatter.add.f32 [tilespmem:s23], [sflag:$0x4], $0x80, s10, s21, $0x2000b8;
	[tilespmem:$0x1EC00] =	vst v63  }
0x5c: {  	_ =	swait.ge [sflag:s28], $0x4000  }
0x5d: {  	[sflag:s28] =	ssyncset.done $0x0  }
0x5e: {  	[sflag:s28] =	ssyncadd.s32 $0xFFFFC000  }
0x5f: {  	[tilespmem:s22], [sflag:$0x1] =	stream.indirect.gather [hbm4b:s4+s21], $0x80, s12, s21, $0x2000b8;
	[tilespmem:$0x1EC00] =	vst v63  }
0x60: {  	_ =	swait.ge [sflag:s30], $0x4000  }
0x61: {  	[sflag:s30] =	ssyncset.done $0x0  }
0x62: {  	[sflag:s30] =	ssyncadd.s32 $0xFFFFC000  }
0x63: {  	[tilespmem:s23], [sflag:$0x2] =	stream.indirect.gather [hbm4b:s4+s21], $0x80, s26, s21, $0x2000b8;
	[tilespmem:$0x1EC00] =	vst v63  }
0x64: {  	_ =	swait.ge [sflag:s24], $0x4000  }
0x65: {  	[sflag:s24] =	ssyncset.done $0x0  }
0x66: {  	[sflag:s24] =	ssyncadd.s32 $0xFFFFC000  }
0x67: {  	[spmem:s1] =	stream.indirect.scatter.add.f32 [tilespmem:s22], [sflag:$0x3], $0x80, s29, s21, $0x2000b8;
	[tilespmem:$0x1EC00] =	vst v63  }
0x68: {  	_ =	swait.ge [sflag:s25], $0x4000  }
0x69: {  	[sflag:s25] =	ssyncset.done $0x0  }
0x6a: {  	[sflag:s25] =	ssyncadd.s32 $0xFFFFC000  }
0x6b: {  	[spmem:s1] =	stream.indirect.scatter.add.f32 [tilespmem:s23], [sflag:$0x4], $0x80, s13, s21, $0x2000b8;
	[tilespmem:$0x1EC00] =	vst v63  }
0x6c: {  	_ =	swait.ge [sflag:s28], $0x4000  }
0x6d: {  	[sflag:s28] =	ssyncset.done $0x0  }
0x6e: {  	[sflag:s28] =	ssyncadd.s32 $0xFFFFC000  }
0x6f: {  	_ =	swait.ge [sflag:s30], $0x4000  }
0x70: {  	[sflag:s30] =	ssyncset.done $0x0  }
0x71: {  	[sflag:s30] =	ssyncadd.s32 $0xFFFFC000  }
0x72: {  	[bflag:$0x0] =	sbarrier.arrive $0xFFFF  }
0x73: {  	s0 =	sadd.s32 $0x1, s0;
	_ =	strace $0x90000049  }
0x74: {  	p1 =	sne.s32 s0, s18;
	_ =	strace $0x8000004A  }
0x75: {  	[hbm:s17], [sflag:s7] =	dma.local [spmem:s8], $0x2780  }
.Ltmp1:
0x76: {  	_ = 	snop;
	(pc) =	sbr.rel @!p1 .LBB2_10-.Ltmp1, $4  }
0x77: {  	_ =	swait.ge [sflag:s19], $0x2780  }
0x78: {  	[sflag:s19] =	ssyncset.done $0x0  }
0x79: {  	[sflag:s19] =	ssyncadd.s32 $0xFFFFD880  }
0x7a: {  	_ =	strace $0x9000004A  }
.LBB2_1:
0x7b: {  	s7 =	sshll.u32 s2, $0x6  }
0x7c: {  	_ =	strace $0x80000048;
	s8 =	sshrl.u32 s5, $0x3;
	s7 =	sor.u32 $0x1C05, s7  }
0x7d: {  	[spmem:s8], [sflag:s7] =	dma.local [hbm:s6], $0x2780  }
0x7e: {  	_ =	swait.ge [sflag:s19], $0x2780  }
.Ltmp2:
0x7f: {  	[sflag:s19] =	ssyncset.done $0x0;
	(pc) =	sbr.rel @p0 .LBB2_9-.Ltmp2, $4  }
0x80: {  	[sflag:s19] =	ssyncadd.s32 $0xFFFFD880  }
0x81: {  	[bflag:$0x0] =	sbarrier.arrive $0xFFFF  }
0x82: {  	_ =	strace $0x90000048  }
0x83: {  	s10 =	smov.u32 s15;
	s9 =	smov.u32 s16;
	_ =	strace $0x80000049  }
0x84: {  	s9 =	simm.s32 $0x0;
	s10 =	rddreg [dreg:$0x3]  }
0x85: {  	[tilespmem:s9], [sflag:$0x5] =	stream.linear.gather [hbm4b:s10+s9], $0x1800, $0x200038;
	[tilespmem:$0x1EC00] =	vst v63  }
0x86: {  	_ =	swait.ge [sflag:s19], $0x1800  }
0x87: {  	[sflag:s19] =	ssyncset.done $0x0  }
0x88: {  	s11 =	rddreg [dreg:$0x4];
	[sflag:s19] =	ssyncadd.s32 $0xFFFFE800  }
0x89: {  	[tilespmem:s20], [sflag:$0x5] =	stream.linear.gather [hbm4b:s11+s9], $0x1800, $0x200038;
	[tilespmem:$0x1EC00] =	vst v63  }
0x8a: {  	_ =	swait.ge [sflag:s19], $0x1800  }
0x8b: {  	[sflag:s19] =	ssyncset.done $0x0  }
0x8c: {  	[sflag:s19] =	ssyncadd.s32 $0xFFFFE800  }
0x8d: {  	[tilespmem:s22], [sflag:$0x1] =	stream.indirect.gather [hbm4b:s4+s21], $0x80, s9, s21, $0x2000b8;
	[tilespmem:$0x1EC00] =	vst v63  }
0x8e: {  	_ = 	snop  }
0x8f: {  	[tilespmem:s23], [sflag:$0x2] =	stream.indirect.gather [hbm4b:s4+s21], $0x80, s21, s21, $0x2000b8;
	[tilespmem:$0x1EC00] =	vst v63  }
0x90: {  	_ =	swait.ge [sflag:s24], $0x4000  }
0x91: {  	[sflag:s24] =	ssyncset.done $0x0  }
0x92: {  	s11 =	simm.s32 $0x1800;
	[sflag:s24] =	ssyncadd.s32 $0xFFFFC000  }
0x93: {  	[spmem:s1] =	stream.indirect.scatter.add.f32 [tilespmem:s22], [sflag:$0x3], $0x80, s11, s21, $0x2000b8;
	[tilespmem:$0x1EC00] =	vst v63  }
0x94: {  	_ =	swait.ge [sflag:s25], $0x4000  }
0x95: {  	[sflag:s25] =	ssyncset.done $0x0  }
0x96: {  	s10 =	simm.s32 $0x1880;
	[sflag:s25] =	ssyncadd.s32 $0xFFFFC000  }
0x97: {  	[spmem:s1] =	stream.indirect.scatter.add.f32 [tilespmem:s23], [sflag:$0x4], $0x80, s10, s21, $0x2000b8;
	[tilespmem:$0x1EC00] =	vst v63  }
0x98: {  	_ =	swait.ge [sflag:s28], $0x4000  }
0x99: {  	[sflag:s28] =	ssyncset.done $0x0  }
0x9a: {  	s11 =	simm.s32 $0x100;
	[sflag:s28] =	ssyncadd.s32 $0xFFFFC000  }
0x9b: {  	[tilespmem:s22], [sflag:$0x1] =	stream.indirect.gather [hbm4b:s4+s21], $0x80, s11, s21, $0x2000b8;
	[tilespmem:$0x1EC00] =	vst v63  }
0x9c: {  	_ =	swait.ge [sflag:s30], $0x4000  }
0x9d: {  	[sflag:s30] =	ssyncset.done $0x0  }
0x9e: {  	s9 =	simm.s32 $0x400;
	s10 =	simm.s32 $0x180;
	[sflag:s30] =	ssyncadd.s32 $0xFFFFC000  }
.LBB2_3:
0x9f: {  	[tilespmem:s23], [sflag:$0x2] =	stream.indirect.gather [hbm4b:s4+s21], $0x80, s10, s21, $0x2000b8;
	[tilespmem:$0x1EC00] =	vst v63  }
0xa0: {  	s10 =	smov.u32 s9  }
0xa1: {  	p1 =	sne.s32 s9, $0x5800;
	s9 =	sadd.s32 $0x400, s9;
	_ =	swait.ge [sflag:s24], $0x4000  }
0xa2: {  	s10 =	sshra.s32 s10, $0x2;
	[sflag:s24] =	ssyncset.done $0x0  }
0xa3: {  	s11 =	sadd.s32 $0x1800, s10;
	[sflag:s24] =	ssyncadd.s32 $0xFFFFC000  }
0xa4: {  	[spmem:s1] =	stream.indirect.scatter.add.f32 [tilespmem:s22], [sflag:$0x3], $0x80, s11, s21, $0x2000b8;
	[tilespmem:$0x1EC00] =	vst v63  }
0xa5: {  	_ =	swait.ge [sflag:s25], $0x4000  }
0xa6: {  	[sflag:s25] =	ssyncset.done $0x0  }
0xa7: {  	s11 =	sadd.s32 $0x1880, s10;
	[sflag:s25] =	ssyncadd.s32 $0xFFFFC000  }
0xa8: {  	[spmem:s1] =	stream.indirect.scatter.add.f32 [tilespmem:s23], [sflag:$0x4], $0x80, s11, s21, $0x2000b8;
	[tilespmem:$0x1EC00] =	vst v63  }
0xa9: {  	_ =	swait.ge [sflag:s28], $0x4000  }
0xaa: {  	[sflag:s28] =	ssyncset.done $0x0  }
.Ltmp3:
0xab: {  	s11 =	sadd.s32 $0x100, s10;
	[sflag:s28] =	ssyncadd.s32 $0xFFFFC000;
	(pc) =	sbr.rel @p1 .LBB2_3-.Ltmp3, $4  }
0xac: {  	[tilespmem:s22], [sflag:$0x1] =	stream.indirect.gather [hbm4b:s4+s21], $0x80, s11, s21, $0x2000b8;
	[tilespmem:$0x1EC00] =	vst v63  }
0xad: {  	_ =	swait.ge [sflag:s30], $0x4000  }
0xae: {  	[sflag:s30] =	ssyncset.done $0x0  }
0xaf: {  	s10 =	sadd.s32 $0x180, s10;
	[sflag:s30] =	ssyncadd.s32 $0xFFFFC000  }
0xb0: {  	[tilespmem:s23], [sflag:$0x2] =	stream.indirect.gather [hbm4b:s4+s21], $0x80, s10, s21, $0x2000b8;
	[tilespmem:$0x1EC00] =	vst v63  }
0xb1: {  	_ =	swait.ge [sflag:s24], $0x4000  }
0xb2: {  	[sflag:s24] =	ssyncset.done $0x0  }
0xb3: {  	[sflag:s24] =	ssyncadd.s32 $0xFFFFC000  }
0xb4: {  	[spmem:s1] =	stream.indirect.scatter.add.f32 [tilespmem:s22], [sflag:$0x3], $0x80, s31, s21, $0x2000b8;
	[tilespmem:$0x1EC00] =	vst v63  }
0xb5: {  	_ =	swait.ge [sflag:s25], $0x4000  }
0xb6: {  	[sflag:s25] =	ssyncset.done $0x0  }
0xb7: {  	[sflag:s25] =	ssyncadd.s32 $0xFFFFC000  }
0xb8: {  	[spmem:s1] =	stream.indirect.scatter.add.f32 [tilespmem:s23], [sflag:$0x4], $0x80, s14, s21, $0x2000b8;
	[tilespmem:$0x1EC00] =	vst v63  }
0xb9: {  	_ =	swait.ge [sflag:s28], $0x4000  }
0xba: {  	[sflag:s28] =	ssyncset.done $0x0  }
0xbb: {  	[sflag:s28] =	ssyncadd.s32 $0xFFFFC000  }
0xbc: {  	_ =	swait.ge [sflag:s30], $0x4000  }
0xbd: {  	[sflag:s30] =	ssyncset.done $0x0  }
0xbe: {  	s9 =	simm.s32 $0x0;
	s11 =	rddreg [dreg:$0x5];
	[sflag:s30] =	ssyncadd.s32 $0xFFFFC000  }
0xbf: {  	[tilespmem:s9], [sflag:$0x5] =	stream.linear.gather [hbm4b:s11+s9], $0x1800, $0x200038;
	[tilespmem:$0x1EC00] =	vst v63  }
0xc0: {  	_ =	swait.ge [sflag:s19], $0x1800  }
0xc1: {  	[sflag:s19] =	ssyncset.done $0x0  }
0xc2: {  	s11 =	rddreg [dreg:$0x6];
	[sflag:s19] =	ssyncadd.s32 $0xFFFFE800  }
0xc3: {  	[tilespmem:s20], [sflag:$0x5] =	stream.linear.gather [hbm4b:s11+s9], $0x1800, $0x200038;
	[tilespmem:$0x1EC00] =	vst v63  }
0xc4: {  	_ =	swait.ge [sflag:s19], $0x1800  }
0xc5: {  	[sflag:s19] =	ssyncset.done $0x0  }
0xc6: {  	[sflag:s19] =	ssyncadd.s32 $0xFFFFE800  }
0xc7: {  	[tilespmem:s22], [sflag:$0x1] =	stream.indirect.gather [hbm4b:s4+s21], $0x80, s9, s21, $0x2000b8;
	[tilespmem:$0x1EC00] =	vst v63  }
0xc8: {  	_ = 	snop  }
0xc9: {  	[tilespmem:s23], [sflag:$0x2] =	stream.indirect.gather [hbm4b:s4+s21], $0x80, s21, s21, $0x2000b8;
	[tilespmem:$0x1EC00] =	vst v63  }
0xca: {  	_ =	swait.ge [sflag:s24], $0x4000  }
0xcb: {  	[sflag:s24] =	ssyncset.done $0x0  }
0xcc: {  	s11 =	simm.s32 $0x1800;
	[sflag:s24] =	ssyncadd.s32 $0xFFFFC000  }
0xcd: {  	[spmem:s1] =	stream.indirect.scatter.add.f32 [tilespmem:s22], [sflag:$0x3], $0x80, s11, s21, $0x2000b8;
	[tilespmem:$0x1EC00] =	vst v63  }
0xce: {  	_ =	swait.ge [sflag:s25], $0x4000  }
0xcf: {  	[sflag:s25] =	ssyncset.done $0x0  }
0xd0: {  	s10 =	simm.s32 $0x1880;
	[sflag:s25] =	ssyncadd.s32 $0xFFFFC000  }
0xd1: {  	[spmem:s1] =	stream.indirect.scatter.add.f32 [tilespmem:s23], [sflag:$0x4], $0x80, s10, s21, $0x2000b8;
	[tilespmem:$0x1EC00] =	vst v63  }
0xd2: {  	_ =	swait.ge [sflag:s28], $0x4000  }
0xd3: {  	[sflag:s28] =	ssyncset.done $0x0  }
0xd4: {  	s11 =	simm.s32 $0x100;
	[sflag:s28] =	ssyncadd.s32 $0xFFFFC000  }
0xd5: {  	[tilespmem:s22], [sflag:$0x1] =	stream.indirect.gather [hbm4b:s4+s21], $0x80, s11, s21, $0x2000b8;
	[tilespmem:$0x1EC00] =	vst v63  }
0xd6: {  	_ =	swait.ge [sflag:s30], $0x4000  }
0xd7: {  	[sflag:s30] =	ssyncset.done $0x0  }
0xd8: {  	s9 =	simm.s32 $0x400;
	s10 =	simm.s32 $0x180;
	[sflag:s30] =	ssyncadd.s32 $0xFFFFC000  }
.LBB2_5:
0xd9: {  	[tilespmem:s23], [sflag:$0x2] =	stream.indirect.gather [hbm4b:s4+s21], $0x80, s10, s21, $0x2000b8;
	[tilespmem:$0x1EC00] =	vst v63  }
0xda: {  	s10 =	smov.u32 s9  }
0xdb: {  	p1 =	sne.s32 s9, $0x5800;
	s9 =	sadd.s32 $0x400, s9;
	_ =	swait.ge [sflag:s24], $0x4000  }
0xdc: {  	s10 =	sshra.s32 s10, $0x2;
	[sflag:s24] =	ssyncset.done $0x0  }
0xdd: {  	s11 =	sadd.s32 $0x1800, s10;
	[sflag:s24] =	ssyncadd.s32 $0xFFFFC000  }
0xde: {  	[spmem:s1] =	stream.indirect.scatter.add.f32 [tilespmem:s22], [sflag:$0x3], $0x80, s11, s21, $0x2000b8;
	[tilespmem:$0x1EC00] =	vst v63  }
0xdf: {  	_ =	swait.ge [sflag:s25], $0x4000  }
0xe0: {  	[sflag:s25] =	ssyncset.done $0x0  }
0xe1: {  	s11 =	sadd.s32 $0x1880, s10;
	[sflag:s25] =	ssyncadd.s32 $0xFFFFC000  }
0xe2: {  	[spmem:s1] =	stream.indirect.scatter.add.f32 [tilespmem:s23], [sflag:$0x4], $0x80, s11, s21, $0x2000b8;
	[tilespmem:$0x1EC00] =	vst v63  }
0xe3: {  	_ =	swait.ge [sflag:s28], $0x4000  }
0xe4: {  	[sflag:s28] =	ssyncset.done $0x0  }
.Ltmp4:
0xe5: {  	s11 =	sadd.s32 $0x100, s10;
	[sflag:s28] =	ssyncadd.s32 $0xFFFFC000;
	(pc) =	sbr.rel @p1 .LBB2_5-.Ltmp4, $4  }
0xe6: {  	[tilespmem:s22], [sflag:$0x1] =	stream.indirect.gather [hbm4b:s4+s21], $0x80, s11, s21, $0x2000b8;
	[tilespmem:$0x1EC00] =	vst v63  }
0xe7: {  	_ =	swait.ge [sflag:s30], $0x4000  }
0xe8: {  	[sflag:s30] =	ssyncset.done $0x0  }
0xe9: {  	s10 =	sadd.s32 $0x180, s10;
	[sflag:s30] =	ssyncadd.s32 $0xFFFFC000  }
0xea: {  	[tilespmem:s23], [sflag:$0x2] =	stream.indirect.gather [hbm4b:s4+s21], $0x80, s10, s21, $0x2000b8;
	[tilespmem:$0x1EC00] =	vst v63  }
0xeb: {  	_ =	swait.ge [sflag:s24], $0x4000  }
0xec: {  	[sflag:s24] =	ssyncset.done $0x0  }
0xed: {  	[sflag:s24] =	ssyncadd.s32 $0xFFFFC000  }
0xee: {  	[spmem:s1] =	stream.indirect.scatter.add.f32 [tilespmem:s22], [sflag:$0x3], $0x80, s31, s21, $0x2000b8;
	[tilespmem:$0x1EC00] =	vst v63  }
0xef: {  	_ =	swait.ge [sflag:s25], $0x4000  }
0xf0: {  	[sflag:s25] =	ssyncset.done $0x0  }
0xf1: {  	[sflag:s25] =	ssyncadd.s32 $0xFFFFC000  }
0xf2: {  	[spmem:s1] =	stream.indirect.scatter.add.f32 [tilespmem:s23], [sflag:$0x4], $0x80, s14, s21, $0x2000b8;
	[tilespmem:$0x1EC00] =	vst v63  }
0xf3: {  	_ =	swait.ge [sflag:s28], $0x4000  }
0xf4: {  	[sflag:s28] =	ssyncset.done $0x0  }
0xf5: {  	[sflag:s28] =	ssyncadd.s32 $0xFFFFC000  }
0xf6: {  	_ =	swait.ge [sflag:s30], $0x4000  }
0xf7: {  	[sflag:s30] =	ssyncset.done $0x0  }
0xf8: {  	s9 =	simm.s32 $0x0;
	s11 =	rddreg [dreg:$0x7];
	[sflag:s30] =	ssyncadd.s32 $0xFFFFC000  }
0xf9: {  	[tilespmem:s9], [sflag:$0x5] =	stream.linear.gather [hbm4b:s11+s9], $0x1800, $0x200038;
	[tilespmem:$0x1EC00] =	vst v63  }
0xfa: {  	_ =	swait.ge [sflag:s19], $0x1800  }
0xfb: {  	[sflag:s19] =	ssyncset.done $0x0  }
0xfc: {  	s11 =	rddreg [dreg:$0x8];
	[sflag:s19] =	ssyncadd.s32 $0xFFFFE800  }
0xfd: {  	[tilespmem:s20], [sflag:$0x5] =	stream.linear.gather [hbm4b:s11+s9], $0x1800, $0x200038;
	[tilespmem:$0x1EC00] =	vst v63  }
0xfe: {  	_ =	swait.ge [sflag:s19], $0x1800  }
0xff: {  	[sflag:s19] =	ssyncset.done $0x0  }
0x100: {  	[sflag:s19] =	ssyncadd.s32 $0xFFFFE800  }
0x101: {  	[tilespmem:s22], [sflag:$0x1] =	stream.indirect.gather [hbm4b:s4+s21], $0x80, s9, s21, $0x2000b8;
	[tilespmem:$0x1EC00] =	vst v63  }
0x102: {  	_ = 	snop  }
0x103: {  	[tilespmem:s23], [sflag:$0x2] =	stream.indirect.gather [hbm4b:s4+s21], $0x80, s21, s21, $0x2000b8;
	[tilespmem:$0x1EC00] =	vst v63  }
0x104: {  	_ =	swait.ge [sflag:s24], $0x4000  }
0x105: {  	[sflag:s24] =	ssyncset.done $0x0  }
0x106: {  	s11 =	simm.s32 $0x1800;
	[sflag:s24] =	ssyncadd.s32 $0xFFFFC000  }
0x107: {  	[spmem:s1] =	stream.indirect.scatter.add.f32 [tilespmem:s22], [sflag:$0x3], $0x80, s11, s21, $0x2000b8;
	[tilespmem:$0x1EC00] =	vst v63  }
0x108: {  	_ =	swait.ge [sflag:s25], $0x4000  }
0x109: {  	[sflag:s25] =	ssyncset.done $0x0  }
0x10a: {  	s10 =	simm.s32 $0x1880;
	[sflag:s25] =	ssyncadd.s32 $0xFFFFC000  }
0x10b: {  	[spmem:s1] =	stream.indirect.scatter.add.f32 [tilespmem:s23], [sflag:$0x4], $0x80, s10, s21, $0x2000b8;
	[tilespmem:$0x1EC00] =	vst v63  }
0x10c: {  	_ =	swait.ge [sflag:s28], $0x4000  }
0x10d: {  	[sflag:s28] =	ssyncset.done $0x0  }
0x10e: {  	s11 =	simm.s32 $0x100;
	[sflag:s28] =	ssyncadd.s32 $0xFFFFC000  }
0x10f: {  	[tilespmem:s22], [sflag:$0x1] =	stream.indirect.gather [hbm4b:s4+s21], $0x80, s11, s21, $0x2000b8;
	[tilespmem:$0x1EC00] =	vst v63  }
0x110: {  	_ =	swait.ge [sflag:s30], $0x4000  }
0x111: {  	[sflag:s30] =	ssyncset.done $0x0  }
0x112: {  	s9 =	simm.s32 $0x400;
	s10 =	simm.s32 $0x180;
	[sflag:s30] =	ssyncadd.s32 $0xFFFFC000  }
.LBB2_7:
0x113: {  	[tilespmem:s23], [sflag:$0x2] =	stream.indirect.gather [hbm4b:s4+s21], $0x80, s10, s21, $0x2000b8;
	[tilespmem:$0x1EC00] =	vst v63  }
0x114: {  	s10 =	smov.u32 s9  }
0x115: {  	p1 =	sne.s32 s9, $0x5800;
	s9 =	sadd.s32 $0x400, s9;
	_ =	swait.ge [sflag:s24], $0x4000  }
0x116: {  	s10 =	sshra.s32 s10, $0x2;
	[sflag:s24] =	ssyncset.done $0x0  }
0x117: {  	s11 =	sadd.s32 $0x1800, s10;
	[sflag:s24] =	ssyncadd.s32 $0xFFFFC000  }
0x118: {  	[spmem:s1] =	stream.indirect.scatter.add.f32 [tilespmem:s22], [sflag:$0x3], $0x80, s11, s21, $0x2000b8;
	[tilespmem:$0x1EC00] =	vst v63  }
0x119: {  	_ =	swait.ge [sflag:s25], $0x4000  }
0x11a: {  	[sflag:s25] =	ssyncset.done $0x0  }
0x11b: {  	s11 =	sadd.s32 $0x1880, s10;
	[sflag:s25] =	ssyncadd.s32 $0xFFFFC000  }
0x11c: {  	[spmem:s1] =	stream.indirect.scatter.add.f32 [tilespmem:s23], [sflag:$0x4], $0x80, s11, s21, $0x2000b8;
	[tilespmem:$0x1EC00] =	vst v63  }
0x11d: {  	_ =	swait.ge [sflag:s28], $0x4000  }
0x11e: {  	[sflag:s28] =	ssyncset.done $0x0  }
.Ltmp5:
0x11f: {  	s11 =	sadd.s32 $0x100, s10;
	[sflag:s28] =	ssyncadd.s32 $0xFFFFC000;
	(pc) =	sbr.rel @p1 .LBB2_7-.Ltmp5, $4  }
0x120: {  	[tilespmem:s22], [sflag:$0x1] =	stream.indirect.gather [hbm4b:s4+s21], $0x80, s11, s21, $0x2000b8;
	[tilespmem:$0x1EC00] =	vst v63  }
0x121: {  	_ =	swait.ge [sflag:s30], $0x4000  }
0x122: {  	[sflag:s30] =	ssyncset.done $0x0  }
0x123: {  	s10 =	sadd.s32 $0x180, s10;
	[sflag:s30] =	ssyncadd.s32 $0xFFFFC000  }
.Ltmp6:
0x124: {  	_ = 	snop;
	(pc) =	sbr.rel .LBB2_8-.Ltmp6, $1  }
0x125: {  	_ =	sdelay $0x3  }
.LBB2_10:
0x126: {  	_ =	sfence.sel $0x180000  }
0x127: {  	[bflag:$0x0] =	sbarrier.arrive $0xFFFF  }
0x128: {  	_ =	strace $0x90000047  }
0x129: {  	[bflag:$0x2] =	sbarrier.arrive $0xFFFF  }
0x12a: {  	p0 =	sne.s32 s2, $0x0;
	s0 =	rddreg [dreg:$0x2]  }
0x12b: {  	s0 =	sadd.s32 @!p0 $0x100000, s0  }
0x12c: {  	[sflag:s0] =	ssyncadd.tile.s32 @!p0 $0x1;
	_ =	shalt  }
.Lfunc_end2:
_tile_overlayer_lowered:
.L_overlay_start_2:
0x12d: {  	(tag) =	ssettag $0x2  }
0x12e: {  	s0 =	rddreg [dreg:$0x0];
	s2 =	stileid.u32  }
0x12f: {  	s1 =	rddreg [dreg:$0x1];
	p0 =	sne.s32 s2, $0x0  }
0x130: {  	s3 =	rddreg [dreg:$0x2];
	[bflag:$0x3] =	sbarrier.arrive $0xFFFF;
	s2 =	simm.s32 @!p0 $0x1C05  }
0x131: {  	[timem:s3], [sflag:s2] =	dma.local @!p0 [hbm:s0], s1  }
0x132: {  	s0 =	simm.s32 @!p0 $0x5  }
0x133: {  	_ =	swait.ge @!p0 [sflag:s0], s1  }
0x134: {  	s1 =	ssub.s32 @!p0 $0x0, s1;
	[sflag:s0] =	ssyncset.done @!p0 $0x0  }
0x135: {  	[sflag:s0] =	ssyncadd.s32 @!p0 s1  }
0x136: {  	[bflag:$0x3] =	sbarrier.arrive $0xFFFF  }
0x137: {  	_ =	shalt  }

</sc_bundles>
